<compile_context>
chip_gen: v7x
topology: tpu7x:2x2x1
jax: 0.10.2.dev20260603
libtpu: 0.0.44.dev20260713+nightly
codegen_flags: <defaults>
</compile_context>

<pallas_src>
import functools

import jax
import jax.numpy as jnp
from jax import lax
from jax.experimental import pallas as pl
from jax.experimental.pallas import tpu as pltpu
from jax.experimental.pallas import tpu_sc as plsc

D = 8388608
N_PH = 64
N_MG = 1024

NC = 2
NS = 16
L = 16
NW = NC * NS
PER_W = D // NW
CHUNK = 8192
N_CHUNKS = PER_W // CHUNK
NBUF = 4
UNROLL = 8

_mesh = plsc.VectorSubcoreMesh(core_axis_name="c", subcore_axis_name="s")


@functools.partial(
    pl.kernel,
    mesh=_mesh,
    out_type=jax.ShapeDtypeStruct((D,), jnp.float32),
    compiler_params=pltpu.CompilerParams(
        needs_layout_passes=False, use_tc_tiling_on_sc=False),
    scratch_types=[
        pltpu.VMEM((N_PH,), jnp.float32),
        pltpu.VMEM((N_MG,), jnp.float32),
        pltpu.VMEM((N_PH * L,), jnp.float32),
        pltpu.VMEM((N_MG * L,), jnp.float32),
    ] + [pltpu.VMEM((CHUNK,), jnp.int32) for _ in range(2 * NBUF)]
      + [pltpu.VMEM((CHUNK,), jnp.float32) for _ in range(NBUF)]
      + [pltpu.SemaphoreType.DMA for _ in range(2 * NBUF)],
)
def _sc_lookup(pi_hbm, mi_hbm, pct_hbm, met_hbm, out_hbm,
               pct_v, met_v, pct_rep, met_rep, *bufs):
    pi_bufs = bufs[0:NBUF]
    mi_bufs = bufs[NBUF:2 * NBUF]
    o_bufs = bufs[2 * NBUF:3 * NBUF]
    sems_in = bufs[3 * NBUF:4 * NBUF]
    sems_out = bufs[4 * NBUF:5 * NBUF]

    wid = lax.axis_index("s") * NC + lax.axis_index("c")
    base = wid * PER_W

    def start_in(g, b):
        off = base + g * CHUNK
        pltpu.async_copy(pi_hbm.at[pl.ds(off, CHUNK)], pi_bufs[b], sems_in[b])
        pltpu.async_copy(mi_hbm.at[pl.ds(off, CHUNK)], mi_bufs[b], sems_in[b])

    def wait_in(b):
        pltpu.make_async_copy(pi_hbm.at[pl.ds(0, CHUNK)], pi_bufs[b],
                              sems_in[b]).wait()
        pltpu.make_async_copy(mi_hbm.at[pl.ds(0, CHUNK)], mi_bufs[b],
                              sems_in[b]).wait()

    def start_out(g, b):
        off = base + g * CHUNK
        pltpu.async_copy(o_bufs[b], out_hbm.at[pl.ds(off, CHUNK)], sems_out[b])

    def wait_out(b):
        pltpu.make_async_copy(o_bufs[b], out_hbm.at[pl.ds(0, CHUNK)],
                              sems_out[b]).wait()

    for g in range(NBUF):
        start_in(g, g)

    pltpu.sync_copy(pct_hbm, pct_v)
    pltpu.sync_copy(met_hbm, met_v)

    lanes = lax.iota(jnp.int32, L)

    def build_rep(src_ref, rep_ref, n):
        @plsc.parallel_loop(0, n * L, L, unroll=8)
        def _(i):
            v = plsc.load_gather(src_ref, [jnp.full((L,), i >> 4, jnp.int32)])
            rep_ref[pl.ds(i, L)] = v

    build_rep(pct_v, pct_rep, N_PH)
    build_rep(met_v, met_rep, N_MG)

    def compute(b):
        pi_buf, mi_buf, o_buf = pi_bufs[b], mi_bufs[b], o_bufs[b]

        @plsc.parallel_loop(0, CHUNK, L, unroll=UNROLL)
        def _(off):
            pidx = pi_buf[pl.ds(off, L)]
            midx = mi_buf[pl.ds(off, L)]
            cv = plsc.load_gather(pct_rep, [(pidx << 4) | lanes])
            mv = plsc.load_gather(met_rep, [(midx << 4) | lanes])
            o_buf[pl.ds(off, L)] = cv * mv

    n_pairs = N_CHUNKS // NBUF

    def pair_body(k, _):
        g0 = k * NBUF
        for b in range(NBUF):
            g = g0 + b
            wait_in(b)

            @pl.when(k > 0)
            def _():
                wait_out(b)

            compute(b)
            start_out(g, b)

            @pl.when(k < n_pairs - 1)
            def _():
                start_in(g + NBUF, b)

        return 0

    lax.fori_loop(0, n_pairs, pair_body, 0)
    for b in range(NBUF):
        wait_out(b)


def kernel(phase_indices, mag_indices, phase_cos_table, mag_exp_table):
    pi = phase_indices.astype(jnp.int32)
    mi = mag_indices.astype(jnp.int32)
    pct = phase_cos_table.astype(jnp.float32)
    met = mag_exp_table.astype(jnp.float32)
    return _sc_lookup(pi, mi, pct, met)

# --- scband reference (transcript-rebuilt; emitter-appended) ---
"""Pipeline reference for scband-high-resolution-lookup-tables-50422916055435 (READ-ONLY COPY).

The authoritative reference and input builder live on the scoring server;
editing this copy changes nothing except your own understanding.
"""

import jax, jax.numpy as jnp
import numpy as np
import math

D = 8388608
N = 64
M = 1024


def setup_inputs(seed: int = 0) -> dict:
    key = jax.random.key(seed)
    k1, k2 = jax.random.split(key)
    phase_indices = jax.random.randint(k1, (D,), 0, N)
    mag_indices = jax.random.randint(k2, (D,), 0, M)
    # Buffers as built in __init__ (setup_phase_tables / setup_magnitude_tables)
    phase_values = jnp.linspace(0.0, 2.0 * math.pi, N + 1)[:-1]
    phase_cos_table = jnp.cos(phase_values)
    mag_range = jnp.linspace(-3.0, 3.0, M)
    mag_exp_table = jnp.exp(mag_range)
    return {
        "phase_indices": phase_indices,
        "mag_indices": mag_indices,
        "phase_cos_table": phase_cos_table,
        "mag_exp_table": mag_exp_table,
    }


def reference(phase_indices, mag_indices, phase_cos_table, mag_exp_table):
    # get_signal_vector(phase_indices, mag_indices, use_sigmoid=False)
    pi = jnp.clip(phase_indices, 0, N - 1)
    mi = jnp.clip(mag_indices, 0, M - 1)
    cos_vals = jnp.take(phase_cos_table, pi, axis=0)   # lookup_phase
    mag_vals = jnp.take(mag_exp_table, mi, axis=0)     # lookup_magnitude (exp)
    return cos_vals * mag_vals

if __name__ == "__main__":
    import jax
    _d = setup_inputs()
    print(jax.jit(kernel)(*tuple(_d.values())))

</pallas_src>

<mosaic_0001>
#map = affine_map<(d0, d1) -> (0)>
module attributes {stable_mosaic.version = 14 : i64} {
  func.func @_sc_lookup(%arg0: i32, %arg1: i32, %arg2: memref<8388608xi32, #tpu.memory_space<hbm>>, %arg3: memref<8388608xi32, #tpu.memory_space<hbm>>, %arg4: memref<64xf32, #tpu.memory_space<hbm>>, %arg5: memref<1024xf32, #tpu.memory_space<hbm>>, %arg6: memref<8388608xf32, #tpu.memory_space<hbm>>, %arg7: memref<64xf32, #tpu.memory_space<vmem>>, %arg8: memref<1024xf32, #tpu.memory_space<vmem>>, %arg9: memref<1024xf32, #tpu.memory_space<vmem>>, %arg10: memref<16384xf32, #tpu.memory_space<vmem>>, %arg11: memref<8192xi32, #tpu.memory_space<vmem>>, %arg12: memref<8192xi32, #tpu.memory_space<vmem>>, %arg13: memref<8192xi32, #tpu.memory_space<vmem>>, %arg14: memref<8192xi32, #tpu.memory_space<vmem>>, %arg15: memref<8192xi32, #tpu.memory_space<vmem>>, %arg16: memref<8192xi32, #tpu.memory_space<vmem>>, %arg17: memref<8192xi32, #tpu.memory_space<vmem>>, %arg18: memref<8192xi32, #tpu.memory_space<vmem>>, %arg19: memref<8192xf32, #tpu.memory_space<vmem>>, %arg20: memref<8192xf32, #tpu.memory_space<vmem>>, %arg21: memref<8192xf32, #tpu.memory_space<vmem>>, %arg22: memref<8192xf32, #tpu.memory_space<vmem>>, %arg23: memref<!tpu.dma_semaphore, #tpu.memory_space<semaphore_mem>>, %arg24: memref<!tpu.dma_semaphore, #tpu.memory_space<semaphore_mem>>, %arg25: memref<!tpu.dma_semaphore, #tpu.memory_space<semaphore_mem>>, %arg26: memref<!tpu.dma_semaphore, #tpu.memory_space<semaphore_mem>>, %arg27: memref<!tpu.dma_semaphore, #tpu.memory_space<semaphore_mem>>, %arg28: memref<!tpu.dma_semaphore, #tpu.memory_space<semaphore_mem>>, %arg29: memref<!tpu.dma_semaphore, #tpu.memory_space<semaphore_mem>>, %arg30: memref<!tpu.dma_semaphore, #tpu.memory_space<semaphore_mem>>) attributes {dimension_semantics = [#tpu.dimension_semantics<core_parallel>, #tpu.dimension_semantics<subcore_parallel>], iteration_bounds = array<i64: 2, 16>, scalar_prefetch = 0 : i64, scratch_operands = 24 : i64, tpu.core_type = #tpu.core_type<sc_vector_subcore>, window_params = [{transform_indices = #map}, {transform_indices = #map}, {transform_indices = #map}, {transform_indices = #map}, {transform_indices = #map}]} {
    %mul3A = arith.constant 2 : i32
    %mul3A_0 = arith.muli %arg1, %mul3A : i32
    %add3A = arith.addi %mul3A_0, %arg0 : i32
    %mul3A_1 = arith.constant 262144 : i32
    %mul3A_2 = arith.muli %add3A, %mul3A_1 : i32
    %add3A_3 = arith.constant 0 : i32
    %add3A_4 = arith.addi %mul3A_2, %add3A_3 : i32
    %dma_start3A = tpu.memref_slice %arg2[%add3A_4] : memref<8388608xi32, #tpu.memory_space<hbm>> -> memref<8192xi32, #tpu.memory_space<hbm>>
    %dma_start3A_5 = tpu.memref_slice %arg2[%add3A_4] : memref<8388608xi32, #tpu.memory_space<hbm>> -> memref<8192xi32, #tpu.memory_space<hbm>>
    tpu.enqueue_dma source(%dma_start3A_5 : memref<8192xi32, #tpu.memory_space<hbm>>) target(%arg11 : memref<8192xi32, #tpu.memory_space<vmem>>) target_semaphore(%arg23 : memref<!tpu.dma_semaphore, #tpu.memory_space<semaphore_mem>>)
    %dma_start3A_6 = tpu.memref_slice %arg3[%add3A_4] : memref<8388608xi32, #tpu.memory_space<hbm>> -> memref<8192xi32, #tpu.memory_space<hbm>>
    %dma_start3A_7 = tpu.memref_slice %arg3[%add3A_4] : memref<8388608xi32, #tpu.memory_space<hbm>> -> memref<8192xi32, #tpu.memory_space<hbm>>
    tpu.enqueue_dma source(%dma_start3A_7 : memref<8192xi32, #tpu.memory_space<hbm>>) target(%arg15 : memref<8192xi32, #tpu.memory_space<vmem>>) target_semaphore(%arg23 : memref<!tpu.dma_semaphore, #tpu.memory_space<semaphore_mem>>)
    %add3A_8 = arith.constant 8192 : i32
    %add3A_9 = arith.addi %mul3A_2, %add3A_8 : i32
    %dma_start3A_10 = tpu.memref_slice %arg2[%add3A_9] : memref<8388608xi32, #tpu.memory_space<hbm>> -> memref<8192xi32, #tpu.memory_space<hbm>>
    %dma_start3A_11 = tpu.memref_slice %arg2[%add3A_9] : memref<8388608xi32, #tpu.memory_space<hbm>> -> memref<8192xi32, #tpu.memory_space<hbm>>
    tpu.enqueue_dma source(%dma_start3A_11 : memref<8192xi32, #tpu.memory_space<hbm>>) target(%arg12 : memref<8192xi32, #tpu.memory_space<vmem>>) target_semaphore(%arg24 : memref<!tpu.dma_semaphore, #tpu.memory_space<semaphore_mem>>)
    %dma_start3A_12 = tpu.memref_slice %arg3[%add3A_9] : memref<8388608xi32, #tpu.memory_space<hbm>> -> memref<8192xi32, #tpu.memory_space<hbm>>
    %dma_start3A_13 = tpu.memref_slice %arg3[%add3A_9] : memref<8388608xi32, #tpu.memory_space<hbm>> -> memref<8192xi32, #tpu.memory_space<hbm>>
    tpu.enqueue_dma source(%dma_start3A_13 : memref<8192xi32, #tpu.memory_space<hbm>>) target(%arg16 : memref<8192xi32, #tpu.memory_space<vmem>>) target_semaphore(%arg24 : memref<!tpu.dma_semaphore, #tpu.memory_space<semaphore_mem>>)
    %add3A_14 = arith.constant 16384 : i32
    %add3A_15 = arith.addi %mul3A_2, %add3A_14 : i32
    %dma_start3A_16 = tpu.memref_slice %arg2[%add3A_15] : memref<8388608xi32, #tpu.memory_space<hbm>> -> memref<8192xi32, #tpu.memory_space<hbm>>
    %dma_start3A_17 = tpu.memref_slice %arg2[%add3A_15] : memref<8388608xi32, #tpu.memory_space<hbm>> -> memref<8192xi32, #tpu.memory_space<hbm>>
    tpu.enqueue_dma source(%dma_start3A_17 : memref<8192xi32, #tpu.memory_space<hbm>>) target(%arg13 : memref<8192xi32, #tpu.memory_space<vmem>>) target_semaphore(%arg25 : memref<!tpu.dma_semaphore, #tpu.memory_space<semaphore_mem>>)
    %dma_start3A_18 = tpu.memref_slice %arg3[%add3A_15] : memref<8388608xi32, #tpu.memory_space<hbm>> -> memref<8192xi32, #tpu.memory_space<hbm>>
    %dma_start3A_19 = tpu.memref_slice %arg3[%add3A_15] : memref<8388608xi32, #tpu.memory_space<hbm>> -> memref<8192xi32, #tpu.memory_space<hbm>>
    tpu.enqueue_dma source(%dma_start3A_19 : memref<8192xi32, #tpu.memory_space<hbm>>) target(%arg17 : memref<8192xi32, #tpu.memory_space<vmem>>) target_semaphore(%arg25 : memref<!tpu.dma_semaphore, #tpu.memory_space<semaphore_mem>>)
    %add3A_20 = arith.constant 24576 : i32
    %add3A_21 = arith.addi %mul3A_2, %add3A_20 : i32
    %dma_start3A_22 = tpu.memref_slice %arg2[%add3A_21] : memref<8388608xi32, #tpu.memory_space<hbm>> -> memref<8192xi32, #tpu.memory_space<hbm>>
    %dma_start3A_23 = tpu.memref_slice %arg2[%add3A_21] : memref<8388608xi32, #tpu.memory_space<hbm>> -> memref<8192xi32, #tpu.memory_space<hbm>>
    tpu.enqueue_dma source(%dma_start3A_23 : memref<8192xi32, #tpu.memory_space<hbm>>) target(%arg14 : memref<8192xi32, #tpu.memory_space<vmem>>) target_semaphore(%arg26 : memref<!tpu.dma_semaphore, #tpu.memory_space<semaphore_mem>>)
    %dma_start3A_24 = tpu.memref_slice %arg3[%add3A_21] : memref<8388608xi32, #tpu.memory_space<hbm>> -> memref<8192xi32, #tpu.memory_space<hbm>>
    %dma_start3A_25 = tpu.memref_slice %arg3[%add3A_21] : memref<8388608xi32, #tpu.memory_space<hbm>> -> memref<8192xi32, #tpu.memory_space<hbm>>
    tpu.enqueue_dma source(%dma_start3A_25 : memref<8192xi32, #tpu.memory_space<hbm>>) target(%arg18 : memref<8192xi32, #tpu.memory_space<vmem>>) target_semaphore(%arg26 : memref<!tpu.dma_semaphore, #tpu.memory_space<semaphore_mem>>)
    "tpu.region"() ({
      %run_scoped3A = tpu.sem_alloc : memref<!tpu.dma_semaphore, #tpu.memory_space<semaphore_mem>>
      tpu.enqueue_dma source(%arg4 : memref<64xf32, #tpu.memory_space<hbm>>) target(%arg7 : memref<64xf32, #tpu.memory_space<vmem>>) target_semaphore(%run_scoped3A : memref<!tpu.dma_semaphore, #tpu.memory_space<semaphore_mem>>)
      tpu.wait_dma2 semaphore(%run_scoped3A : memref<!tpu.dma_semaphore, #tpu.memory_space<semaphore_mem>>) src(%arg4 : memref<64xf32, #tpu.memory_space<hbm>>) dst(%arg7 : memref<64xf32, #tpu.memory_space<vmem>>)
      tpu.yield
    }) : () -> ()
    "tpu.region"() ({
      %run_scoped3A = tpu.sem_alloc : memref<!tpu.dma_semaphore, #tpu.memory_space<semaphore_mem>>
      tpu.enqueue_dma source(%arg5 : memref<1024xf32, #tpu.memory_space<hbm>>) target(%arg8 : memref<1024xf32, #tpu.memory_space<vmem>>) target_semaphore(%run_scoped3A : memref<!tpu.dma_semaphore, #tpu.memory_space<semaphore_mem>>)
      tpu.wait_dma2 semaphore(%run_scoped3A : memref<!tpu.dma_semaphore, #tpu.memory_space<semaphore_mem>>) src(%arg5 : memref<1024xf32, #tpu.memory_space<hbm>>) dst(%arg8 : memref<1024xf32, #tpu.memory_space<vmem>>)
      tpu.yield
    }) : () -> ()
    %iota3A = tpu.iota {dimensions = array<i32: 0>} : vector<16xi32>
    %parallel_loop3A = arith.constant 0 : i32
    %parallel_loop3A_26 = arith.constant 1024 : i32
    %parallel_loop3A_27 = arith.constant 16 : i32
    scf.for %parallel_loop3A_52 = %parallel_loop3A to %parallel_loop3A_26 step %parallel_loop3A_27  : i32 {
      %parallel_loop3A_53 = arith.constant 4 : i32
      %parallel_loop3A_54 = arith.shrsi %parallel_loop3A_52, %parallel_loop3A_53 : i32
      %parallel_loop3A_55 = vector.broadcast %parallel_loop3A_54 : i32 to vector<16xi32>
      %parallel_loop3A_56 = tpu.vector_load_idx %arg7[%parallel_loop3A_55] : memref<64xf32, #tpu.memory_space<vmem>>[vector<16xi32>], vector<16xf32>,
      %parallel_loop3A_57 = arith.index_cast %parallel_loop3A_52 : i32 to index
      %parallel_loop3A_58 = tpu.vector_load %arg9[%parallel_loop3A_57] {strides = array<i32>} : memref<1024xf32, #tpu.memory_space<vmem>>, vector<16xf32>,
      tpu.vector_store %arg9[%parallel_loop3A_57], %parallel_loop3A_56 {strides = array<i32>} : memref<1024xf32, #tpu.memory_space<vmem>>, vector<16xf32>,
    } {sc.loop_unroll_factor = 8 : i64, sc.parallel_access}
    %parallel_loop3A_28 = arith.constant 0 : i32
    %parallel_loop3A_29 = arith.constant 16384 : i32
    %parallel_loop3A_30 = arith.constant 16 : i32
    scf.for %parallel_loop3A_52 = %parallel_loop3A_28 to %parallel_loop3A_29 step %parallel_loop3A_30  : i32 {
      %parallel_loop3A_53 = arith.constant 4 : i32
      %parallel_loop3A_54 = arith.shrsi %parallel_loop3A_52, %parallel_loop3A_53 : i32
      %parallel_loop3A_55 = vector.broadcast %parallel_loop3A_54 : i32 to vector<16xi32>
      %parallel_loop3A_56 = tpu.vector_load_idx %arg8[%parallel_loop3A_55] : memref<1024xf32, #tpu.memory_space<vmem>>[vector<16xi32>], vector<16xf32>,
      %parallel_loop3A_57 = arith.index_cast %parallel_loop3A_52 : i32 to index
      %parallel_loop3A_58 = tpu.vector_load %arg10[%parallel_loop3A_57] {strides = array<i32>} : memref<16384xf32, #tpu.memory_space<vmem>>, vector<16xf32>,
      tpu.vector_store %arg10[%parallel_loop3A_57], %parallel_loop3A_56 {strides = array<i32>} : memref<16384xf32, #tpu.memory_space<vmem>>, vector<16xf32>,
    } {sc.loop_unroll_factor = 8 : i64, sc.parallel_access}
    %scan3A = arith.constant 0 : i32
    %scan3A_31 = arith.constant 0 : i32
    %scan3A_32 = arith.constant 8 : i32
    %scan3A_33 = arith.addi %scan3A_31, %scan3A_32 : i32
    %scan3A_34 = arith.constant 1 : i32
    %scan3A_35 = scf.for %scan3A_52 = %scan3A_31 to %scan3A_33 step %scan3A_34 iter_args(%scan3A_53 = %scan3A) -> (i32)  : i32 {
      %mul3A_54 = arith.constant 4 : i32
      %mul3A_55 = arith.muli %scan3A_52, %mul3A_54 : i32
      %add3A_56 = arith.constant 0 : i32
      %add3A_57 = arith.addi %mul3A_55, %add3A_56 : i32
      %dma_wait3A_58 = arith.constant 0 : i32
      %dma_wait3A_59 = tpu.memref_slice %arg2[%dma_wait3A_58] : memref<8388608xi32, #tpu.memory_space<hbm>> -> memref<8192xi32, #tpu.memory_space<hbm>>
      %dma_wait3A_60 = arith.constant 0 : i32
      %dma_wait3A_61 = tpu.memref_slice %arg2[%dma_wait3A_60] : memref<8388608xi32, #tpu.memory_space<hbm>> -> memref<8192xi32, #tpu.memory_space<hbm>>
      tpu.wait_dma2 semaphore(%arg23 : memref<!tpu.dma_semaphore, #tpu.memory_space<semaphore_mem>>) src(%dma_wait3A_61 : memref<8192xi32, #tpu.memory_space<hbm>>) dst(%arg11 : memref<8192xi32, #tpu.memory_space<vmem>>)
      %dma_wait3A_62 = arith.constant 0 : i32
      %dma_wait3A_63 = tpu.memref_slice %arg3[%dma_wait3A_62] : memref<8388608xi32, #tpu.memory_space<hbm>> -> memref<8192xi32, #tpu.memory_space<hbm>>
      %dma_wait3A_64 = arith.constant 0 : i32
      %dma_wait3A_65 = tpu.memref_slice %arg3[%dma_wait3A_64] : memref<8388608xi32, #tpu.memory_space<hbm>> -> memref<8192xi32, #tpu.memory_space<hbm>>
      tpu.wait_dma2 semaphore(%arg23 : memref<!tpu.dma_semaphore, #tpu.memory_space<semaphore_mem>>) src(%dma_wait3A_65 : memref<8192xi32, #tpu.memory_space<hbm>>) dst(%arg15 : memref<8192xi32, #tpu.memory_space<vmem>>)
      %gt3A = arith.constant 0 : i32
      %gt3A_66 = arith.cmpi sgt, %scan3A_52, %gt3A : i32
      %convert_element_type3A = arith.extui %gt3A_66 : i1 to i32
      %cond3A = arith.constant 0 : i32
      %cond3A_67 = arith.cmpi ne, %convert_element_type3A, %cond3A : i32
      scf.if %cond3A_67 {
        %dma_wait3A_165 = arith.constant 0 : i32
        %dma_wait3A_166 = tpu.memref_slice %arg6[%dma_wait3A_165] : memref<8388608xf32, #tpu.memory_space<hbm>> -> memref<8192xf32, #tpu.memory_space<hbm>>
        %dma_wait3A_167 = arith.constant 0 : i32
        %dma_wait3A_168 = tpu.memref_slice %arg6[%dma_wait3A_167] : memref<8388608xf32, #tpu.memory_space<hbm>> -> memref<8192xf32, #tpu.memory_space<hbm>>
        tpu.wait_dma2 semaphore(%arg27 : memref<!tpu.dma_semaphore, #tpu.memory_space<semaphore_mem>>) src(%arg19 : memref<8192xf32, #tpu.memory_space<vmem>>) dst(%dma_wait3A_168 : memref<8192xf32, #tpu.memory_space<hbm>>)
      } else {
      }
      %parallel_loop3A_68 = arith.constant 0 : i32
      %parallel_loop3A_69 = arith.constant 8192 : i32
      %parallel_loop3A_70 = arith.constant 16 : i32
      scf.for %parallel_loop3A_165 = %parallel_loop3A_68 to %parallel_loop3A_69 step %parallel_loop3A_70  : i32 {
        %parallel_loop3A_166 = arith.index_cast %parallel_loop3A_165 : i32 to index
        %parallel_loop3A_167 = tpu.vector_load %arg11[%parallel_loop3A_166] {strides = array<i32>} : memref<8192xi32, #tpu.memory_space<vmem>>, vector<16xi32>,
        %parallel_loop3A_168 = arith.index_cast %parallel_loop3A_165 : i32 to index
        %parallel_loop3A_169 = tpu.vector_load %arg15[%parallel_loop3A_168] {strides = array<i32>} : memref<8192xi32, #tpu.memory_space<vmem>>, vector<16xi32>,
        %parallel_loop3A_170 = arith.constant 4 : i32
        %parallel_loop3A_171 = vector.broadcast %parallel_loop3A_170 : i32 to vector<16xi32>
        %parallel_loop3A_172 = arith.shli %parallel_loop3A_167, %parallel_loop3A_171 : vector<16xi32>
        %parallel_loop3A_173 = arith.ori %parallel_loop3A_172, %iota3A : vector<16xi32>
        %parallel_loop3A_174 = tpu.vector_load_idx %arg9[%parallel_loop3A_173] : memref<1024xf32, #tpu.memory_space<vmem>>[vector<16xi32>], vector<16xf32>,
        %parallel_loop3A_175 = arith.constant 4 : i32
        %parallel_loop3A_176 = vector.broadcast %parallel_loop3A_175 : i32 to vector<16xi32>
        %parallel_loop3A_177 = arith.shli %parallel_loop3A_169, %parallel_loop3A_176 : vector<16xi32>
        %parallel_loop3A_178 = arith.ori %parallel_loop3A_177, %iota3A : vector<16xi32>
        %parallel_loop3A_179 = tpu.vector_load_idx %arg10[%parallel_loop3A_178] : memref<16384xf32, #tpu.memory_space<vmem>>[vector<16xi32>], vector<16xf32>,
        %parallel_loop3A_180 = arith.mulf %parallel_loop3A_174, %parallel_loop3A_179 : vector<16xf32>
        %parallel_loop3A_181 = arith.index_cast %parallel_loop3A_165 : i32 to index
        %parallel_loop3A_182 = tpu.vector_load %arg19[%parallel_loop3A_181] {strides = array<i32>} : memref<8192xf32, #tpu.memory_space<vmem>>, vector<16xf32>,
        tpu.vector_store %arg19[%parallel_loop3A_181], %parallel_loop3A_180 {strides = array<i32>} : memref<8192xf32, #tpu.memory_space<vmem>>, vector<16xf32>,
      } {sc.loop_unroll_factor = 8 : i64, sc.parallel_access}
      %mul3A_71 = arith.constant 8192 : i32
      %mul3A_72 = arith.muli %add3A_57, %mul3A_71 : i32
      %add3A_73 = arith.addi %mul3A_2, %mul3A_72 : i32
      %dma_start3A_74 = tpu.memref_slice %arg6[%add3A_73] : memref<8388608xf32, #tpu.memory_space<hbm>> -> memref<8192xf32, #tpu.memory_space<hbm>>
      %dma_start3A_75 = tpu.memref_slice %arg6[%add3A_73] : memref<8388608xf32, #tpu.memory_space<hbm>> -> memref<8192xf32, #tpu.memory_space<hbm>>
      tpu.enqueue_dma source(%arg19 : memref<8192xf32, #tpu.memory_space<vmem>>) target(%dma_start3A_75 : memref<8192xf32, #tpu.memory_space<hbm>>) target_semaphore(%arg27 : memref<!tpu.dma_semaphore, #tpu.memory_space<semaphore_mem>>)
      %lt3A = arith.constant 7 : i32
      %lt3A_76 = arith.cmpi slt, %scan3A_52, %lt3A : i32
      %convert_element_type3A_77 = arith.extui %lt3A_76 : i1 to i32
      %cond3A_78 = arith.constant 0 : i32
      %cond3A_79 = arith.cmpi ne, %convert_element_type3A_77, %cond3A_78 : i32
      scf.if %cond3A_79 {
        %add3A_165 = arith.constant 4 : i32
        %add3A_166 = arith.addi %add3A_57, %add3A_165 : i32
        %mul3A_167 = arith.constant 8192 : i32
        %mul3A_168 = arith.muli %add3A_166, %mul3A_167 : i32
        %add3A_169 = arith.addi %mul3A_2, %mul3A_168 : i32
        %dma_start3A_170 = tpu.memref_slice %arg2[%add3A_169] : memref<8388608xi32, #tpu.memory_space<hbm>> -> memref<8192xi32, #tpu.memory_space<hbm>>
        %dma_start3A_171 = tpu.memref_slice %arg2[%add3A_169] : memref<8388608xi32, #tpu.memory_space<hbm>> -> memref<8192xi32, #tpu.memory_space<hbm>>
        tpu.enqueue_dma source(%dma_start3A_171 : memref<8192xi32, #tpu.memory_space<hbm>>) target(%arg11 : memref<8192xi32, #tpu.memory_space<vmem>>) target_semaphore(%arg23 : memref<!tpu.dma_semaphore, #tpu.memory_space<semaphore_mem>>)
        %dma_start3A_172 = tpu.memref_slice %arg3[%add3A_169] : memref<8388608xi32, #tpu.memory_space<hbm>> -> memref<8192xi32, #tpu.memory_space<hbm>>
        %dma_start3A_173 = tpu.memref_slice %arg3[%add3A_169] : memref<8388608xi32, #tpu.memory_space<hbm>> -> memref<8192xi32, #tpu.memory_space<hbm>>
        tpu.enqueue_dma source(%dma_start3A_173 : memref<8192xi32, #tpu.memory_space<hbm>>) target(%arg15 : memref<8192xi32, #tpu.memory_space<vmem>>) target_semaphore(%arg23 : memref<!tpu.dma_semaphore, #tpu.memory_space<semaphore_mem>>)
      } else {
      }
      %add3A_80 = arith.constant 1 : i32
      %add3A_81 = arith.addi %mul3A_55, %add3A_80 : i32
      %dma_wait3A_82 = arith.constant 0 : i32
      %dma_wait3A_83 = tpu.memref_slice %arg2[%dma_wait3A_82] : memref<8388608xi32, #tpu.memory_space<hbm>> -> memref<8192xi32, #tpu.memory_space<hbm>>
      %dma_wait3A_84 = arith.constant 0 : i32
      %dma_wait3A_85 = tpu.memref_slice %arg2[%dma_wait3A_84] : memref<8388608xi32, #tpu.memory_space<hbm>> -> memref<8192xi32, #tpu.memory_space<hbm>>
      tpu.wait_dma2 semaphore(%arg24 : memref<!tpu.dma_semaphore, #tpu.memory_space<semaphore_mem>>) src(%dma_wait3A_85 : memref<8192xi32, #tpu.memory_space<hbm>>) dst(%arg12 : memref<8192xi32, #tpu.memory_space<vmem>>)
      %dma_wait3A_86 = arith.constant 0 : i32
      %dma_wait3A_87 = tpu.memref_slice %arg3[%dma_wait3A_86] : memref<8388608xi32, #tpu.memory_space<hbm>> -> memref<8192xi32, #tpu.memory_space<hbm>>
      %dma_wait3A_88 = arith.constant 0 : i32
      %dma_wait3A_89 = tpu.memref_slice %arg3[%dma_wait3A_88] : memref<8388608xi32, #tpu.memory_space<hbm>> -> memref<8192xi32, #tpu.memory_space<hbm>>
      tpu.wait_dma2 semaphore(%arg24 : memref<!tpu.dma_semaphore, #tpu.memory_space<semaphore_mem>>) src(%dma_wait3A_89 : memref<8192xi32, #tpu.memory_space<hbm>>) dst(%arg16 : memref<8192xi32, #tpu.memory_space<vmem>>)
      %gt3A_90 = arith.constant 0 : i32
      %gt3A_91 = arith.cmpi sgt, %scan3A_52, %gt3A_90 : i32
      %convert_element_type3A_92 = arith.extui %gt3A_91 : i1 to i32
      %cond3A_93 = arith.constant 0 : i32
      %cond3A_94 = arith.cmpi ne, %convert_element_type3A_92, %cond3A_93 : i32
      scf.if %cond3A_94 {
        %dma_wait3A_165 = arith.constant 0 : i32
        %dma_wait3A_166 = tpu.memref_slice %arg6[%dma_wait3A_165] : memref<8388608xf32, #tpu.memory_space<hbm>> -> memref<8192xf32, #tpu.memory_space<hbm>>
        %dma_wait3A_167 = arith.constant 0 : i32
        %dma_wait3A_168 = tpu.memref_slice %arg6[%dma_wait3A_167] : memref<8388608xf32, #tpu.memory_space<hbm>> -> memref<8192xf32, #tpu.memory_space<hbm>>
        tpu.wait_dma2 semaphore(%arg28 : memref<!tpu.dma_semaphore, #tpu.memory_space<semaphore_mem>>) src(%arg20 : memref<8192xf32, #tpu.memory_space<vmem>>) dst(%dma_wait3A_168 : memref<8192xf32, #tpu.memory_space<hbm>>)
      } else {
      }
      %parallel_loop3A_95 = arith.constant 0 : i32
      %parallel_loop3A_96 = arith.constant 8192 : i32
      %parallel_loop3A_97 = arith.constant 16 : i32
      scf.for %parallel_loop3A_165 = %parallel_loop3A_95 to %parallel_loop3A_96 step %parallel_loop3A_97  : i32 {
        %parallel_loop3A_166 = arith.index_cast %parallel_loop3A_165 : i32 to index
        %parallel_loop3A_167 = tpu.vector_load %arg12[%parallel_loop3A_166] {strides = array<i32>} : memref<8192xi32, #tpu.memory_space<vmem>>, vector<16xi32>,
        %parallel_loop3A_168 = arith.index_cast %parallel_loop3A_165 : i32 to index
        %parallel_loop3A_169 = tpu.vector_load %arg16[%parallel_loop3A_168] {strides = array<i32>} : memref<8192xi32, #tpu.memory_space<vmem>>, vector<16xi32>,
        %parallel_loop3A_170 = arith.constant 4 : i32
        %parallel_loop3A_171 = vector.broadcast %parallel_loop3A_170 : i32 to vector<16xi32>
        %parallel_loop3A_172 = arith.shli %parallel_loop3A_167, %parallel_loop3A_171 : vector<16xi32>
        %parallel_loop3A_173 = arith.ori %parallel_loop3A_172, %iota3A : vector<16xi32>
        %parallel_loop3A_174 = tpu.vector_load_idx %arg9[%parallel_loop3A_173] : memref<1024xf32, #tpu.memory_space<vmem>>[vector<16xi32>], vector<16xf32>,
        %parallel_loop3A_175 = arith.constant 4 : i32
        %parallel_loop3A_176 = vector.broadcast %parallel_loop3A_175 : i32 to vector<16xi32>
        %parallel_loop3A_177 = arith.shli %parallel_loop3A_169, %parallel_loop3A_176 : vector<16xi32>
        %parallel_loop3A_178 = arith.ori %parallel_loop3A_177, %iota3A : vector<16xi32>
        %parallel_loop3A_179 = tpu.vector_load_idx %arg10[%parallel_loop3A_178] : memref<16384xf32, #tpu.memory_space<vmem>>[vector<16xi32>], vector<16xf32>,
        %parallel_loop3A_180 = arith.mulf %parallel_loop3A_174, %parallel_loop3A_179 : vector<16xf32>
        %parallel_loop3A_181 = arith.index_cast %parallel_loop3A_165 : i32 to index
        %parallel_loop3A_182 = tpu.vector_load %arg20[%parallel_loop3A_181] {strides = array<i32>} : memref<8192xf32, #tpu.memory_space<vmem>>, vector<16xf32>,
        tpu.vector_store %arg20[%parallel_loop3A_181], %parallel_loop3A_180 {strides = array<i32>} : memref<8192xf32, #tpu.memory_space<vmem>>, vector<16xf32>,
      } {sc.loop_unroll_factor = 8 : i64, sc.parallel_access}
      %mul3A_98 = arith.constant 8192 : i32
      %mul3A_99 = arith.muli %add3A_81, %mul3A_98 : i32
      %add3A_100 = arith.addi %mul3A_2, %mul3A_99 : i32
      %dma_start3A_101 = tpu.memref_slice %arg6[%add3A_100] : memref<8388608xf32, #tpu.memory_space<hbm>> -> memref<8192xf32, #tpu.memory_space<hbm>>
      %dma_start3A_102 = tpu.memref_slice %arg6[%add3A_100] : memref<8388608xf32, #tpu.memory_space<hbm>> -> memref<8192xf32, #tpu.memory_space<hbm>>
      tpu.enqueue_dma source(%arg20 : memref<8192xf32, #tpu.memory_space<vmem>>) target(%dma_start3A_102 : memref<8192xf32, #tpu.memory_space<hbm>>) target_semaphore(%arg28 : memref<!tpu.dma_semaphore, #tpu.memory_space<semaphore_mem>>)
      %lt3A_103 = arith.constant 7 : i32
      %lt3A_104 = arith.cmpi slt, %scan3A_52, %lt3A_103 : i32
      %convert_element_type3A_105 = arith.extui %lt3A_104 : i1 to i32
      %cond3A_106 = arith.constant 0 : i32
      %cond3A_107 = arith.cmpi ne, %convert_element_type3A_105, %cond3A_106 : i32
      scf.if %cond3A_107 {
        %add3A_165 = arith.constant 4 : i32
        %add3A_166 = arith.addi %add3A_81, %add3A_165 : i32
        %mul3A_167 = arith.constant 8192 : i32
        %mul3A_168 = arith.muli %add3A_166, %mul3A_167 : i32
        %add3A_169 = arith.addi %mul3A_2, %mul3A_168 : i32
        %dma_start3A_170 = tpu.memref_slice %arg2[%add3A_169] : memref<8388608xi32, #tpu.memory_space<hbm>> -> memref<8192xi32, #tpu.memory_space<hbm>>
        %dma_start3A_171 = tpu.memref_slice %arg2[%add3A_169] : memref<8388608xi32, #tpu.memory_space<hbm>> -> memref<8192xi32, #tpu.memory_space<hbm>>
        tpu.enqueue_dma source(%dma_start3A_171 : memref<8192xi32, #tpu.memory_space<hbm>>) target(%arg12 : memref<8192xi32, #tpu.memory_space<vmem>>) target_semaphore(%arg24 : memref<!tpu.dma_semaphore, #tpu.memory_space<semaphore_mem>>)
        %dma_start3A_172 = tpu.memref_slice %arg3[%add3A_169] : memref<8388608xi32, #tpu.memory_space<hbm>> -> memref<8192xi32, #tpu.memory_space<hbm>>
        %dma_start3A_173 = tpu.memref_slice %arg3[%add3A_169] : memref<8388608xi32, #tpu.memory_space<hbm>> -> memref<8192xi32, #tpu.memory_space<hbm>>
        tpu.enqueue_dma source(%dma_start3A_173 : memref<8192xi32, #tpu.memory_space<hbm>>) target(%arg16 : memref<8192xi32, #tpu.memory_space<vmem>>) target_semaphore(%arg24 : memref<!tpu.dma_semaphore, #tpu.memory_space<semaphore_mem>>)
      } else {
      }
      %add3A_108 = arith.constant 2 : i32
      %add3A_109 = arith.addi %mul3A_55, %add3A_108 : i32
      %dma_wait3A_110 = arith.constant 0 : i32
      %dma_wait3A_111 = tpu.memref_slice %arg2[%dma_wait3A_110] : memref<8388608xi32, #tpu.memory_space<hbm>> -> memref<8192xi32, #tpu.memory_space<hbm>>
      %dma_wait3A_112 = arith.constant 0 : i32
      %dma_wait3A_113 = tpu.memref_slice %arg2[%dma_wait3A_112] : memref<8388608xi32, #tpu.memory_space<hbm>> -> memref<8192xi32, #tpu.memory_space<hbm>>
      tpu.wait_dma2 semaphore(%arg25 : memref<!tpu.dma_semaphore, #tpu.memory_space<semaphore_mem>>) src(%dma_wait3A_113 : memref<8192xi32, #tpu.memory_space<hbm>>) dst(%arg13 : memref<8192xi32, #tpu.memory_space<vmem>>)
      %dma_wait3A_114 = arith.constant 0 : i32
      %dma_wait3A_115 = tpu.memref_slice %arg3[%dma_wait3A_114] : memref<8388608xi32, #tpu.memory_space<hbm>> -> memref<8192xi32, #tpu.memory_space<hbm>>
      %dma_wait3A_116 = arith.constant 0 : i32
      %dma_wait3A_117 = tpu.memref_slice %arg3[%dma_wait3A_116] : memref<8388608xi32, #tpu.memory_space<hbm>> -> memref<8192xi32, #tpu.memory_space<hbm>>
      tpu.wait_dma2 semaphore(%arg25 : memref<!tpu.dma_semaphore, #tpu.memory_space<semaphore_mem>>) src(%dma_wait3A_117 : memref<8192xi32, #tpu.memory_space<hbm>>) dst(%arg17 : memref<8192xi32, #tpu.memory_space<vmem>>)
      %gt3A_118 = arith.constant 0 : i32
      %gt3A_119 = arith.cmpi sgt, %scan3A_52, %gt3A_118 : i32
      %convert_element_type3A_120 = arith.extui %gt3A_119 : i1 to i32
      %cond3A_121 = arith.constant 0 : i32
      %cond3A_122 = arith.cmpi ne, %convert_element_type3A_120, %cond3A_121 : i32
      scf.if %cond3A_122 {
        %dma_wait3A_165 = arith.constant 0 : i32
        %dma_wait3A_166 = tpu.memref_slice %arg6[%dma_wait3A_165] : memref<8388608xf32, #tpu.memory_space<hbm>> -> memref<8192xf32, #tpu.memory_space<hbm>>
        %dma_wait3A_167 = arith.constant 0 : i32
        %dma_wait3A_168 = tpu.memref_slice %arg6[%dma_wait3A_167] : memref<8388608xf32, #tpu.memory_space<hbm>> -> memref<8192xf32, #tpu.memory_space<hbm>>
        tpu.wait_dma2 semaphore(%arg29 : memref<!tpu.dma_semaphore, #tpu.memory_space<semaphore_mem>>) src(%arg21 : memref<8192xf32, #tpu.memory_space<vmem>>) dst(%dma_wait3A_168 : memref<8192xf32, #tpu.memory_space<hbm>>)
      } else {
      }
      %parallel_loop3A_123 = arith.constant 0 : i32
      %parallel_loop3A_124 = arith.constant 8192 : i32
      %parallel_loop3A_125 = arith.constant 16 : i32
      scf.for %parallel_loop3A_165 = %parallel_loop3A_123 to %parallel_loop3A_124 step %parallel_loop3A_125  : i32 {
        %parallel_loop3A_166 = arith.index_cast %parallel_loop3A_165 : i32 to index
        %parallel_loop3A_167 = tpu.vector_load %arg13[%parallel_loop3A_166] {strides = array<i32>} : memref<8192xi32, #tpu.memory_space<vmem>>, vector<16xi32>,
        %parallel_loop3A_168 = arith.index_cast %parallel_loop3A_165 : i32 to index
        %parallel_loop3A_169 = tpu.vector_load %arg17[%parallel_loop3A_168] {strides = array<i32>} : memref<8192xi32, #tpu.memory_space<vmem>>, vector<16xi32>,
        %parallel_loop3A_170 = arith.constant 4 : i32
        %parallel_loop3A_171 = vector.broadcast %parallel_loop3A_170 : i32 to vector<16xi32>
        %parallel_loop3A_172 = arith.shli %parallel_loop3A_167, %parallel_loop3A_171 : vector<16xi32>
        %parallel_loop3A_173 = arith.ori %parallel_loop3A_172, %iota3A : vector<16xi32>
        %parallel_loop3A_174 = tpu.vector_load_idx %arg9[%parallel_loop3A_173] : memref<1024xf32, #tpu.memory_space<vmem>>[vector<16xi32>], vector<16xf32>,
        %parallel_loop3A_175 = arith.constant 4 : i32
        %parallel_loop3A_176 = vector.broadcast %parallel_loop3A_175 : i32 to vector<16xi32>
        %parallel_loop3A_177 = arith.shli %parallel_loop3A_169, %parallel_loop3A_176 : vector<16xi32>
        %parallel_loop3A_178 = arith.ori %parallel_loop3A_177, %iota3A : vector<16xi32>
        %parallel_loop3A_179 = tpu.vector_load_idx %arg10[%parallel_loop3A_178] : memref<16384xf32, #tpu.memory_space<vmem>>[vector<16xi32>], vector<16xf32>,
        %parallel_loop3A_180 = arith.mulf %parallel_loop3A_174, %parallel_loop3A_179 : vector<16xf32>
        %parallel_loop3A_181 = arith.index_cast %parallel_loop3A_165 : i32 to index
        %parallel_loop3A_182 = tpu.vector_load %arg21[%parallel_loop3A_181] {strides = array<i32>} : memref<8192xf32, #tpu.memory_space<vmem>>, vector<16xf32>,
        tpu.vector_store %arg21[%parallel_loop3A_181], %parallel_loop3A_180 {strides = array<i32>} : memref<8192xf32, #tpu.memory_space<vmem>>, vector<16xf32>,
      } {sc.loop_unroll_factor = 8 : i64, sc.parallel_access}
      %mul3A_126 = arith.constant 8192 : i32
      %mul3A_127 = arith.muli %add3A_109, %mul3A_126 : i32
      %add3A_128 = arith.addi %mul3A_2, %mul3A_127 : i32
      %dma_start3A_129 = tpu.memref_slice %arg6[%add3A_128] : memref<8388608xf32, #tpu.memory_space<hbm>> -> memref<8192xf32, #tpu.memory_space<hbm>>
      %dma_start3A_130 = tpu.memref_slice %arg6[%add3A_128] : memref<8388608xf32, #tpu.memory_space<hbm>> -> memref<8192xf32, #tpu.memory_space<hbm>>
      tpu.enqueue_dma source(%arg21 : memref<8192xf32, #tpu.memory_space<vmem>>) target(%dma_start3A_130 : memref<8192xf32, #tpu.memory_space<hbm>>) target_semaphore(%arg29 : memref<!tpu.dma_semaphore, #tpu.memory_space<semaphore_mem>>)
      %lt3A_131 = arith.constant 7 : i32
      %lt3A_132 = arith.cmpi slt, %scan3A_52, %lt3A_131 : i32
      %convert_element_type3A_133 = arith.extui %lt3A_132 : i1 to i32
      %cond3A_134 = arith.constant 0 : i32
      %cond3A_135 = arith.cmpi ne, %convert_element_type3A_133, %cond3A_134 : i32
      scf.if %cond3A_135 {
        %add3A_165 = arith.constant 4 : i32
        %add3A_166 = arith.addi %add3A_109, %add3A_165 : i32
        %mul3A_167 = arith.constant 8192 : i32
        %mul3A_168 = arith.muli %add3A_166, %mul3A_167 : i32
        %add3A_169 = arith.addi %mul3A_2, %mul3A_168 : i32
        %dma_start3A_170 = tpu.memref_slice %arg2[%add3A_169] : memref<8388608xi32, #tpu.memory_space<hbm>> -> memref<8192xi32, #tpu.memory_space<hbm>>
        %dma_start3A_171 = tpu.memref_slice %arg2[%add3A_169] : memref<8388608xi32, #tpu.memory_space<hbm>> -> memref<8192xi32, #tpu.memory_space<hbm>>
        tpu.enqueue_dma source(%dma_start3A_171 : memref<8192xi32, #tpu.memory_space<hbm>>) target(%arg13 : memref<8192xi32, #tpu.memory_space<vmem>>) target_semaphore(%arg25 : memref<!tpu.dma_semaphore, #tpu.memory_space<semaphore_mem>>)
        %dma_start3A_172 = tpu.memref_slice %arg3[%add3A_169] : memref<8388608xi32, #tpu.memory_space<hbm>> -> memref<8192xi32, #tpu.memory_space<hbm>>
        %dma_start3A_173 = tpu.memref_slice %arg3[%add3A_169] : memref<8388608xi32, #tpu.memory_space<hbm>> -> memref<8192xi32, #tpu.memory_space<hbm>>
        tpu.enqueue_dma source(%dma_start3A_173 : memref<8192xi32, #tpu.memory_space<hbm>>) target(%arg17 : memref<8192xi32, #tpu.memory_space<vmem>>) target_semaphore(%arg25 : memref<!tpu.dma_semaphore, #tpu.memory_space<semaphore_mem>>)
      } else {
      }
      %add3A_136 = arith.constant 3 : i32
      %add3A_137 = arith.addi %mul3A_55, %add3A_136 : i32
      %dma_wait3A_138 = arith.constant 0 : i32
      %dma_wait3A_139 = tpu.memref_slice %arg2[%dma_wait3A_138] : memref<8388608xi32, #tpu.memory_space<hbm>> -> memref<8192xi32, #tpu.memory_space<hbm>>
      %dma_wait3A_140 = arith.constant 0 : i32
      %dma_wait3A_141 = tpu.memref_slice %arg2[%dma_wait3A_140] : memref<8388608xi32, #tpu.memory_space<hbm>> -> memref<8192xi32, #tpu.memory_space<hbm>>
      tpu.wait_dma2 semaphore(%arg26 : memref<!tpu.dma_semaphore, #tpu.memory_space<semaphore_mem>>) src(%dma_wait3A_141 : memref<8192xi32, #tpu.memory_space<hbm>>) dst(%arg14 : memref<8192xi32, #tpu.memory_space<vmem>>)
      %dma_wait3A_142 = arith.constant 0 : i32
      %dma_wait3A_143 = tpu.memref_slice %arg3[%dma_wait3A_142] : memref<8388608xi32, #tpu.memory_space<hbm>> -> memref<8192xi32, #tpu.memory_space<hbm>>
      %dma_wait3A_144 = arith.constant 0 : i32
      %dma_wait3A_145 = tpu.memref_slice %arg3[%dma_wait3A_144] : memref<8388608xi32, #tpu.memory_space<hbm>> -> memref<8192xi32, #tpu.memory_space<hbm>>
      tpu.wait_dma2 semaphore(%arg26 : memref<!tpu.dma_semaphore, #tpu.memory_space<semaphore_mem>>) src(%dma_wait3A_145 : memref<8192xi32, #tpu.memory_space<hbm>>) dst(%arg18 : memref<8192xi32, #tpu.memory_space<vmem>>)
      %gt3A_146 = arith.constant 0 : i32
      %gt3A_147 = arith.cmpi sgt, %scan3A_52, %gt3A_146 : i32
      %convert_element_type3A_148 = arith.extui %gt3A_147 : i1 to i32
      %cond3A_149 = arith.constant 0 : i32
      %cond3A_150 = arith.cmpi ne, %convert_element_type3A_148, %cond3A_149 : i32
      scf.if %cond3A_150 {
        %dma_wait3A_165 = arith.constant 0 : i32
        %dma_wait3A_166 = tpu.memref_slice %arg6[%dma_wait3A_165] : memref<8388608xf32, #tpu.memory_space<hbm>> -> memref<8192xf32, #tpu.memory_space<hbm>>
        %dma_wait3A_167 = arith.constant 0 : i32
        %dma_wait3A_168 = tpu.memref_slice %arg6[%dma_wait3A_167] : memref<8388608xf32, #tpu.memory_space<hbm>> -> memref<8192xf32, #tpu.memory_space<hbm>>
        tpu.wait_dma2 semaphore(%arg30 : memref<!tpu.dma_semaphore, #tpu.memory_space<semaphore_mem>>) src(%arg22 : memref<8192xf32, #tpu.memory_space<vmem>>) dst(%dma_wait3A_168 : memref<8192xf32, #tpu.memory_space<hbm>>)
      } else {
      }
      %parallel_loop3A_151 = arith.constant 0 : i32
      %parallel_loop3A_152 = arith.constant 8192 : i32
      %parallel_loop3A_153 = arith.constant 16 : i32
      scf.for %parallel_loop3A_165 = %parallel_loop3A_151 to %parallel_loop3A_152 step %parallel_loop3A_153  : i32 {
        %parallel_loop3A_166 = arith.index_cast %parallel_loop3A_165 : i32 to index
        %parallel_loop3A_167 = tpu.vector_load %arg14[%parallel_loop3A_166] {strides = array<i32>} : memref<8192xi32, #tpu.memory_space<vmem>>, vector<16xi32>,
        %parallel_loop3A_168 = arith.index_cast %parallel_loop3A_165 : i32 to index
        %parallel_loop3A_169 = tpu.vector_load %arg18[%parallel_loop3A_168] {strides = array<i32>} : memref<8192xi32, #tpu.memory_space<vmem>>, vector<16xi32>,
        %parallel_loop3A_170 = arith.constant 4 : i32
        %parallel_loop3A_171 = vector.broadcast %parallel_loop3A_170 : i32 to vector<16xi32>
        %parallel_loop3A_172 = arith.shli %parallel_loop3A_167, %parallel_loop3A_171 : vector<16xi32>
        %parallel_loop3A_173 = arith.ori %parallel_loop3A_172, %iota3A : vector<16xi32>
        %parallel_loop3A_174 = tpu.vector_load_idx %arg9[%parallel_loop3A_173] : memref<1024xf32, #tpu.memory_space<vmem>>[vector<16xi32>], vector<16xf32>,
        %parallel_loop3A_175 = arith.constant 4 : i32
        %parallel_loop3A_176 = vector.broadcast %parallel_loop3A_175 : i32 to vector<16xi32>
        %parallel_loop3A_177 = arith.shli %parallel_loop3A_169, %parallel_loop3A_176 : vector<16xi32>
        %parallel_loop3A_178 = arith.ori %parallel_loop3A_177, %iota3A : vector<16xi32>
        %parallel_loop3A_179 = tpu.vector_load_idx %arg10[%parallel_loop3A_178] : memref<16384xf32, #tpu.memory_space<vmem>>[vector<16xi32>], vector<16xf32>,
        %parallel_loop3A_180 = arith.mulf %parallel_loop3A_174, %parallel_loop3A_179 : vector<16xf32>
        %parallel_loop3A_181 = arith.index_cast %parallel_loop3A_165 : i32 to index
        %parallel_loop3A_182 = tpu.vector_load %arg22[%parallel_loop3A_181] {strides = array<i32>} : memref<8192xf32, #tpu.memory_space<vmem>>, vector<16xf32>,
        tpu.vector_store %arg22[%parallel_loop3A_181], %parallel_loop3A_180 {strides = array<i32>} : memref<8192xf32, #tpu.memory_space<vmem>>, vector<16xf32>,
      } {sc.loop_unroll_factor = 8 : i64, sc.parallel_access}
      %mul3A_154 = arith.constant 8192 : i32
      %mul3A_155 = arith.muli %add3A_137, %mul3A_154 : i32
      %add3A_156 = arith.addi %mul3A_2, %mul3A_155 : i32
      %dma_start3A_157 = tpu.memref_slice %arg6[%add3A_156] : memref<8388608xf32, #tpu.memory_space<hbm>> -> memref<8192xf32, #tpu.memory_space<hbm>>
      %dma_start3A_158 = tpu.memref_slice %arg6[%add3A_156] : memref<8388608xf32, #tpu.memory_space<hbm>> -> memref<8192xf32, #tpu.memory_space<hbm>>
      tpu.enqueue_dma source(%arg22 : memref<8192xf32, #tpu.memory_space<vmem>>) target(%dma_start3A_158 : memref<8192xf32, #tpu.memory_space<hbm>>) target_semaphore(%arg30 : memref<!tpu.dma_semaphore, #tpu.memory_space<semaphore_mem>>)
      %lt3A_159 = arith.constant 7 : i32
      %lt3A_160 = arith.cmpi slt, %scan3A_52, %lt3A_159 : i32
      %convert_element_type3A_161 = arith.extui %lt3A_160 : i1 to i32
      %cond3A_162 = arith.constant 0 : i32
      %cond3A_163 = arith.cmpi ne, %convert_element_type3A_161, %cond3A_162 : i32
      scf.if %cond3A_163 {
        %add3A_165 = arith.constant 4 : i32
        %add3A_166 = arith.addi %add3A_137, %add3A_165 : i32
        %mul3A_167 = arith.constant 8192 : i32
        %mul3A_168 = arith.muli %add3A_166, %mul3A_167 : i32
        %add3A_169 = arith.addi %mul3A_2, %mul3A_168 : i32
        %dma_start3A_170 = tpu.memref_slice %arg2[%add3A_169] : memref<8388608xi32, #tpu.memory_space<hbm>> -> memref<8192xi32, #tpu.memory_space<hbm>>
        %dma_start3A_171 = tpu.memref_slice %arg2[%add3A_169] : memref<8388608xi32, #tpu.memory_space<hbm>> -> memref<8192xi32, #tpu.memory_space<hbm>>
        tpu.enqueue_dma source(%dma_start3A_171 : memref<8192xi32, #tpu.memory_space<hbm>>) target(%arg14 : memref<8192xi32, #tpu.memory_space<vmem>>) target_semaphore(%arg26 : memref<!tpu.dma_semaphore, #tpu.memory_space<semaphore_mem>>)
        %dma_start3A_172 = tpu.memref_slice %arg3[%add3A_169] : memref<8388608xi32, #tpu.memory_space<hbm>> -> memref<8192xi32, #tpu.memory_space<hbm>>
        %dma_start3A_173 = tpu.memref_slice %arg3[%add3A_169] : memref<8388608xi32, #tpu.memory_space<hbm>> -> memref<8192xi32, #tpu.memory_space<hbm>>
        tpu.enqueue_dma source(%dma_start3A_173 : memref<8192xi32, #tpu.memory_space<hbm>>) target(%arg18 : memref<8192xi32, #tpu.memory_space<vmem>>) target_semaphore(%arg26 : memref<!tpu.dma_semaphore, #tpu.memory_space<semaphore_mem>>)
      } else {
      }
      %scan3A_164 = arith.constant 0 : i32
      scf.yield %scan3A_164 : i32
    }
    %scan3A_36 = arith.constant 8 : i32
    %dma_wait3A = arith.constant 0 : i32
    %dma_wait3A_37 = tpu.memref_slice %arg6[%dma_wait3A] : memref<8388608xf32, #tpu.memory_space<hbm>> -> memref<8192xf32, #tpu.memory_space<hbm>>
    %dma_wait3A_38 = arith.constant 0 : i32
    %dma_wait3A_39 = tpu.memref_slice %arg6[%dma_wait3A_38] : memref<8388608xf32, #tpu.memory_space<hbm>> -> memref<8192xf32, #tpu.memory_space<hbm>>
    tpu.wait_dma2 semaphore(%arg27 : memref<!tpu.dma_semaphore, #tpu.memory_space<semaphore_mem>>) src(%arg19 : memref<8192xf32, #tpu.memory_space<vmem>>) dst(%dma_wait3A_39 : memref<8192xf32, #tpu.memory_space<hbm>>)
    %dma_wait3A_40 = arith.constant 0 : i32
    %dma_wait3A_41 = tpu.memref_slice %arg6[%dma_wait3A_40] : memref<8388608xf32, #tpu.memory_space<hbm>> -> memref<8192xf32, #tpu.memory_space<hbm>>
    %dma_wait3A_42 = arith.constant 0 : i32
    %dma_wait3A_43 = tpu.memref_slice %arg6[%dma_wait3A_42] : memref<8388608xf32, #tpu.memory_space<hbm>> -> memref<8192xf32, #tpu.memory_space<hbm>>
    tpu.wait_dma2 semaphore(%arg28 : memref<!tpu.dma_semaphore, #tpu.memory_space<semaphore_mem>>) src(%arg20 : memref<8192xf32, #tpu.memory_space<vmem>>) dst(%dma_wait3A_43 : memref<8192xf32, #tpu.memory_space<hbm>>)
    %dma_wait3A_44 = arith.constant 0 : i32
    %dma_wait3A_45 = tpu.memref_slice %arg6[%dma_wait3A_44] : memref<8388608xf32, #tpu.memory_space<hbm>> -> memref<8192xf32, #tpu.memory_space<hbm>>
    %dma_wait3A_46 = arith.constant 0 : i32
    %dma_wait3A_47 = tpu.memref_slice %arg6[%dma_wait3A_46] : memref<8388608xf32, #tpu.memory_space<hbm>> -> memref<8192xf32, #tpu.memory_space<hbm>>
    tpu.wait_dma2 semaphore(%arg29 : memref<!tpu.dma_semaphore, #tpu.memory_space<semaphore_mem>>) src(%arg21 : memref<8192xf32, #tpu.memory_space<vmem>>) dst(%dma_wait3A_47 : memref<8192xf32, #tpu.memory_space<hbm>>)
    %dma_wait3A_48 = arith.constant 0 : i32
    %dma_wait3A_49 = tpu.memref_slice %arg6[%dma_wait3A_48] : memref<8388608xf32, #tpu.memory_space<hbm>> -> memref<8192xf32, #tpu.memory_space<hbm>>
    %dma_wait3A_50 = arith.constant 0 : i32
    %dma_wait3A_51 = tpu.memref_slice %arg6[%dma_wait3A_50] : memref<8388608xf32, #tpu.memory_space<hbm>> -> memref<8192xf32, #tpu.memory_space<hbm>>
    tpu.wait_dma2 semaphore(%arg30 : memref<!tpu.dma_semaphore, #tpu.memory_space<semaphore_mem>>) src(%arg22 : memref<8192xf32, #tpu.memory_space<vmem>>) dst(%dma_wait3A_51 : memref<8192xf32, #tpu.memory_space<hbm>>)
    return
  }
}

</mosaic_0001>

<sc_bundles>
// kernel: kernel.3.cloned.1.call-start
scs
__scs_entry_jumppad:
0x0: {  	(pc) =	sbr.rel $0x88, $3  }
0x1: {  	(tag) =	ssettag $0x0;
	lr =	simm.s32 $0x1  }
0x2: {  	[smem:$0x3F9D] =	sst lr;
	_ =	strace $0xD0000000  }
0x3: {  	_ = 	snop  }
0x4: {  	_ = 	snop  }
0x5: {  	_ = 	snop  }
0x6: {  	_ = 	snop  }
0x7: {  	_ = 	snop  }
__scs_overlays_trampoline_lowered:
0x8: {  	[smem:$0x3FAC] =	sst s0  }
0x9: {  	[smem:$0x3FAD] =	sst s1  }
0xa: {  	[smem:$0x3FAE] =	sst s2  }
0xb: {  	[smem:$0x3FAF] =	sst s3  }
0xc: {  	[smem:$0x3FB0] =	sst s4  }
0xd: {  	[smem:$0x3FB1] =	sst s5  }
0xe: {  	[smem:$0x3FB2] =	sst s6  }
0xf: {  	[smem:$0x3FB3] =	sst s7  }
0x10: {  	[smem:$0x3FB4] =	sst s8  }
0x11: {  	[smem:$0x3FB5] =	sst s9;
	s0 =	simm.s32 @!p0 $0x0  }
0x12: {  	s1 =	sld [smem:$0x3F9B];
	s0 =	simm.s32 @p0 $0x1  }
0x13: {  	[smem:$0x3FB6] =	sst s0;
	s0 =	simm.s32 @!p1 $0x0  }
0x14: {  	s2 =	sld [smem:$0x3F9A];
	s0 =	simm.s32 @p1 $0x1  }
0x15: {  	[smem:$0x3FB7] =	sst s0;
	s0 =	simm.s32 @!p2 $0x0  }
0x16: {  	s3 =	sld [smem:$0x3FDB];
	s0 =	simm.s32 @p2 $0x1  }
0x17: {  	s4 =	simm.s32 $0x1BF5;
	[smem:$0x3FB9] =	sst s0  }
0x18: {  	s0 =	sld [smem:$0x3F9C];
	_ =	swait.ge [sflag:s4], $0x0  }
0x19: {  	s7 =	sld [smem:$0x3F9D]  }
0x1a: {  	s8 =	sadd.s32 $0xFFFFE003, lr  }
0x1b: {  	s9 =	sadd.s32 $0xFFFFFEF7, lr;
	s5 =	simm.s32 $0xFFFFFFFF;
	p2 =	slt.u32 s8, $0xFFFFF086  }
0x1c: {  	p1 =	slt.u32 s9, $0xF7A;
	s5 =	simm.s32 @!p2 $0x0  }
0x1d: {  	s5 =	simm.s32 @p1 $0x1;
	p0 =	seq.s32 s7, s2  }
0x1e: {  	s7 =	smul.u32 @!p0 $0xF7A, s2;
	p2 =	seq.s32 @!p0 s5, $0x0  }
0x1f: {  	s9 =	smul.u32 $0xF7A, s1;
	s8 =	simm.s32 @!p0 $0x1BF5;
	p2 =	por !p2, p0  }
0x20: {  	[sflag:s8] =	ssyncset.s32 @!p0 $0xFFFFF086;
	s6 =	sadd.s32 @!p0 s3, s7;
	s7 =	simm.s32 @!p0 $0x108  }
0x21: {  	s3 =	sadd.s32 s3, s9;
	s6 =	sadd.s32 @!p0 $0x88, s6;
	s7 =	simm.s32 @p2 $0x1082  }
0x22: {  	[simem:s7], [sflag:s8] =	dma.local @!p0 [hbm:s6], $0xF7A  }
0x23: {  	s9 =	sor.u32 $0xD0000000, s2;
	s6 =	simm.s32 $0x108;
	_ =	swait.ge @!p0 [sflag:s8], $0x0  }
0x24: {  	s3 =	sadd.s32 $0x88, s3;
	s6 =	simm.s32 @!p1 $0x1082;
	[sflag:s4] =	ssyncset.s32 $0xFFFFF086  }
0x25: {  	[simem:s6], [sflag:s4] =	dma.local [hbm:s3], $0xF7A  }
0x26: {  	[smem:$0x3F9D] =	sst s1;
	(tag) =	ssettag s2;
	_ =	strace s9  }
0x27: {  	s1 =	sld [smem:$0x3FAD]  }
0x28: {  	s2 =	sld [smem:$0x3FAE]  }
0x29: {  	s4 =	sld [smem:$0x3FB0]  }
0x2a: {  	p0 =	seq.s32 s5, $0x0;
	s5 =	sld [smem:$0x3FB1]  }
0x2b: {  	s6 =	sld [smem:$0x3FB2]  }
0x2c: {  	s7 =	sld [smem:$0x3FB3]  }
0x2d: {  	s3 =	simm.s32 $0x108;
	s8 =	sld [smem:$0x3FB4]  }
0x2e: {  	s3 =	simm.s32 @!p0 $0x1082;
	s9 =	sld [smem:$0x3FB5]  }
0x2f: {  	lr =	sadd.s32 s0, s3;
	s0 =	sld [smem:$0x3FAC]  }
0x30: {  	s3 =	sld [smem:$0x3FAF]  }
0x31: {  	[smem:$0x3FB8] =	sst s10  }
0x32: {  	s10 =	sld [smem:$0x3FB6];
	_ =	sdelay $0x3  }
0x33: {  	p0 =	seq.s32 s10, $0x1;
	s10 =	sld [smem:$0x3FB8];
	_ =	sdelay $0x3  }
0x34: {  	[smem:$0x3FB8] =	sst s10  }
0x35: {  	s10 =	sld [smem:$0x3FB7];
	_ =	sdelay $0x3  }
0x36: {  	p1 =	seq.s32 s10, $0x1;
	s10 =	sld [smem:$0x3FB8];
	_ =	sdelay $0x3  }
0x37: {  	[smem:$0x3FB8] =	sst s10  }
0x38: {  	s10 =	sld [smem:$0x3FB9]  }
0x39: {  	_ = 	snop;
	(pc) =	sbr.ind lr, $3  }
0x3a: {  	_ = 	snop  }
0x3b: {  	_ = 	snop  }
0x3c: {  	p2 =	seq.s32 s10, $0x1;
	s10 =	sld [smem:$0x3FB8]  }
0x3d: {  	_ =	shalt  }
0x3e: {  	_ =	shalt  }
0x3f: {  	_ =	shalt  }
0x40: {  	_ =	shalt  }
0x41: {  	_ =	shalt  }
0x42: {  	_ =	shalt  }
0x43: {  	_ =	shalt  }
0x44: {  	_ =	shalt  }
0x45: {  	_ =	shalt  }
0x46: {  	_ =	shalt  }
0x47: {  	_ =	shalt  }
0x48: {  	_ =	shalt  }
0x49: {  	_ =	shalt  }
0x4a: {  	_ =	shalt  }
0x4b: {  	_ =	shalt  }
0x4c: {  	_ =	shalt  }
0x4d: {  	_ =	shalt  }
0x4e: {  	_ =	shalt  }
0x4f: {  	_ =	shalt  }
0x50: {  	_ =	shalt  }
0x51: {  	_ =	shalt  }
0x52: {  	_ =	shalt  }
0x53: {  	_ =	shalt  }
0x54: {  	_ =	shalt  }
0x55: {  	_ =	shalt  }
0x56: {  	_ =	shalt  }
0x57: {  	_ =	shalt  }
0x58: {  	_ =	shalt  }
0x59: {  	_ =	shalt  }
0x5a: {  	_ =	shalt  }
0x5b: {  	_ =	shalt  }
0x5c: {  	_ =	shalt  }
0x5d: {  	_ =	shalt  }
0x5e: {  	_ =	shalt  }
0x5f: {  	_ =	shalt  }
0x60: {  	_ =	shalt  }
0x61: {  	_ =	shalt  }
0x62: {  	_ =	shalt  }
0x63: {  	_ =	shalt  }
0x64: {  	_ =	shalt  }
0x65: {  	_ =	shalt  }
0x66: {  	_ =	shalt  }
0x67: {  	_ =	shalt  }
0x68: {  	_ =	shalt  }
0x69: {  	_ =	shalt  }
0x6a: {  	_ =	shalt  }
0x6b: {  	_ =	shalt  }
0x6c: {  	_ =	shalt  }
0x6d: {  	_ =	shalt  }
0x6e: {  	_ =	shalt  }
0x6f: {  	_ =	shalt  }
0x70: {  	_ =	shalt  }
0x71: {  	_ =	shalt  }
0x72: {  	_ =	shalt  }
0x73: {  	_ =	shalt  }
0x74: {  	_ =	shalt  }
0x75: {  	_ =	shalt  }
0x76: {  	_ =	shalt  }
0x77: {  	_ =	shalt  }
0x78: {  	_ =	shalt  }
0x79: {  	_ =	shalt  }
0x7a: {  	_ =	shalt  }
0x7b: {  	_ =	shalt  }
0x7c: {  	_ =	shalt  }
0x7d: {  	_ =	shalt  }
0x7e: {  	_ =	shalt  }
0x7f: {  	_ =	shalt  }
0x80: {  	_ =	shalt  }
0x81: {  	_ =	shalt  }
0x82: {  	_ =	shalt  }
0x83: {  	_ =	shalt  }
0x84: {  	_ =	shalt  }
0x85: {  	_ =	shalt  }
0x86: {  	_ =	shalt  }
0x87: {  	_ =	shalt  }
.Lfunc_end0:
.L_simem_size_0:
called_computation_lowered:
.L_overlay_start_0:
0x88: {  	s2 =	sld [smem:$0x3FD9]  }
0x89: {  	s3 =	sld [smem:$0x3FFE];
	_ =	sdelay $0x1  }
0x8a: {  	s1 =	srdreg.scid  }
0x8b: {  	s0 =	sand.u32 $0x1, s1  }
0x8c: {  	s18 =	sshll.u32 s0, $0xA;
	s2 =	sadd.s32 s3, s2  }
0x8d: {  	s2 =	sadd.s32 s2, s18  }
0x8e: {  	[smem:$0x3FC4] =	sst s2  }
0x8f: {  	_ = 	snop  }
0x90: {  	s2 =	sld [smem:$0x3FC9]  }
0x91: {  	s19 =	sld [smem:$0x3FC8]  }
0x92: {  	s4 =	sld [smem:$0x3FC7]  }
0x93: {  	s5 =	sld [smem:$0x3FC6]  }
0x94: {  	s6 =	sld [smem:$0x3FD0];
	(tm) =	ssettm $0x1  }
0x95: {  	s7 =	sld [smem:$0x3FFB];
	_ =	sdelay $0x3  }
0x96: {  	_ =	strace s7  }
0x97: {  	s7 =	sld [smem:$0x3FFC];
	_ =	sdelay $0x3  }
0x98: {  	_ =	strace s7  }
0x99: {  	s7 =	sld [smem:$0x3FFD];
	_ =	sdelay $0x3  }
0x9a: {  	_ =	strace s7  }
0x9b: {  	_ =	strace $0x8FFFFFFF  }
0x9c: {  	s20 =	sld [smem:$0x3FDB];
	_ =	sdelay $0x1  }
0x9d: {  	s8 =	simm.s32 $_scs_section_size  }
0x9e: {  	s9 =	simm.s32 $_size__tile_overlayer_lowered;
	s10 =	simm.s32 $_tile_overlayer_lowered  }
0x9f: {  	s23 =	simm.s32 $0x1BFF;
	s22 =	sshll.u32 s10, $0x1;
	s7 =	sadd.s32 s8, s20  }
0xa0: {  	s11 =	simm.s32 $0x0;
	s21 =	sshll.u32 s9, $0x1;
	s9 =	sadd.s32 s22, s7  }
0xa1: {  	[timem:s11], [sflag:s23] =	dma.local [hbm:s9], s21  }
0xa2: {  	_ =	swait.ge [sflag:s23], s21  }
0xa3: {  	s8 =	ssub.s32 $0x0, s21;
	[sflag:s23] =	ssyncset.done $0x0  }
0xa4: {  	[sflag:s23] =	ssyncadd.s32 s8;
	_ =	sdelay $0x1  }
0xa5: {  	s24 =	simm.s32 $0x1B8B  }
0xa6: {  	_ =	swait.ge [sflag:s24], $0x1  }
0xa7: {  	[sflag:s24] =	ssyncset.done $0x0  }
0xa8: {  	s25 =	simm.s32 $0x1B8E;
	[sflag:s24] =	ssyncadd.s32 $0xFFFFFFFF  }
0xa9: {  	s26 =	simm.s32 $execute0_lowered;
	[smem:$0x3FD2] =	sst s25  }
0xaa: {  	s8 =	sshll.u32 s26, $0x1;
	_ =	strace $0x80000046;
	[dreg:$0x1] =	wrdreg $0xFFFFFFFF  }
0xab: {  	s28 =	simm.s32 $_size_execute0_lowered;
	s7 =	sadd.s32 s7, s8;
	[dreg:$0x0] =	wrdreg $0x0  }
0xac: {  	s8 =	sshll.u32 s28, $0x1;
	[dreg:$0x2] =	wrdreg s7  }
0xad: {  	[dreg:$0x3] =	wrdreg s8  }
0xae: {  	[dreg:$0x4] =	wrdreg $0xC0  }
0xaf: {  	_ =	task [dreg:s11], $0x5FFFF  }
0xb0: {  	[dreg:$0x1] =	wrdreg $0xFFFFFFFF  }
0xb1: {  	[dreg:$0x0] =	wrdreg $0x60  }
0xb2: {  	[dreg:$0x2] =	wrdreg s2  }
0xb3: {  	[dreg:$0x3] =	wrdreg s19  }
0xb4: {  	[dreg:$0x4] =	wrdreg s4  }
0xb5: {  	[dreg:$0x5] =	wrdreg s5  }
0xb6: {  	[dreg:$0x6] =	wrdreg s6  }
0xb7: {  	[dreg:$0x7] =	wrdreg $0x9  }
0xb8: {  	_ =	task.clear_ibuf [dreg:s11], $0x8FFFF;
	_ =	strace $0x90000046  }
0xb9: {  	s29 =	simm.s32 $0x9;
	_ =	strace $0x80000048  }
0xba: {  	_ =	swait.ge [sflag:s29], $0x1  }
0xbb: {  	[sflag:s29] =	ssyncadd.s32 $0xFFFFFFFF  }
0xbc: {  	_ =	strace $0x90000048  }
0xbd: {  	_ =	sfence  }
0xbe: {  	s30 =	sld [smem:$0x0];
	_ =	sdelay $0x2  }
0xbf: {  	s31 =	sshll.u32 s1, $0xD;
	s1 =	sshrl.u32 s1, $0x2  }
0xc0: {  	s3 =	sand.u32 $0x4000, s31;
	s1 =	sadd.s32 s1, s30  }
0xc1: {  	s0 =	sor.u32 s3, s0;
	s1 =	sshll.u32 s1, $0x11  }
0xc2: {  	s0 =	sor.u32 s1, s0  }
0xc3: {  	s0 =	sadd.s32 $0x8F2B, s0  }
0xc4: {  	[sflag:s0] =	ssyncadd.remote.s32 $0x1  }
0xc5: {  	_ =	sfence.sel $0xFFFF  }
0xc6: {  	[dreg:$0x0] =	wrdreg $0xFFFFFFFF;
	(pc) =	sbr.abs _section_cstart, $3  }
0xc7: {  	[dreg:$0x1] =	wrdreg $0xFFFFFFFF  }
0xc8: {  	_ =	task.clear_ibuf [dreg:s11], $0x2FFFF;
	_ =	strace $0x9FFFFFFF  }
0xc9: {  	(tm) =	ssettm $0x7FFFFFFF  }
tec
execute0_lowered:
.L_overlay_start_1:
0x0: {  	(tag) =	ssettag $0x1  }
0x1: {  	s1 =	rddreg [dreg:$0x0]  }
0x2: {  	s2 =	rddreg [dreg:$0x1]  }
0x3: {  	s6 =	rddreg [dreg:$0x4]  }
0x4: {  	s0 =	srdreg.scid;
	s3 =	stileid.u32;
	s7 =	simm.s32 $0x0  }
0x5: {  	s29 =	simm.s32 $0xA840;
	s30 =	simm.s32 $0x12840;
	s28 =	simm.s32 $0x4  }
0x6: {  	s9 =	simm.s32 $0x1A840;
	s15 =	simm.s32 $0x7;
	s0 =	sand.u32 $0x1, s0  }
0x7: {  	s14 =	simm.s32 $0x0;
	s3 =	sshll.u32 s3, $0x13;
	s4 =	sshll.u32 s0, $0x12  }
0x8: {  	[smem:$0x7FF] =	sst s7;
	s0 =	ssub.s32 $0x2, s0;
	s8 =	sor.u32 s4, s3  }
0x9: {  	_ =	strace $0x80000047;
	s19 =	sshrl.u32 s0, $0x1;
	s4 =	sshrl.u32 s8, $0x3  }
0xa: {  	s0 =	ssub.s32 s0, s19;
	s17 =	sor.u32 $0x8000, s8;
	s18 =	sor.u32 $0xA000, s8  }
0xb: {  	s19 =	sor.u32 $0xC000, s8;
	s20 =	sadd.s32 s1, s4;
	s21 =	sor.u32 $0x400, s4  }
0xc: {  	s5 =	sadd.s32 s2, s4;
	s23 =	sor.u32 $0x800, s4;
	[dreg:$0x6] =	wrdreg s20  }
0xd: {  	s25 =	sor.u32 $0xC00, s4;
	s0 =	smax.u32 s0, $0x1;
	[dreg:$0x7] =	wrdreg s5  }
0xe: {  	s4 =	simm.s32 $0x1;
	s22 =	sadd.s32 s1, s21;
	[dreg:$0xe] =	wrdreg s0  }
0xf: {  	s3 =	sadd.s32 s2, s21;
	s24 =	sadd.s32 s1, s23;
	[dreg:$0x8] =	wrdreg s22  }
0x10: {  	s26 =	sadd.s32 s2, s23;
	s31 =	sadd.s32 s1, s25;
	[dreg:$0x9] =	wrdreg s3  }
.Ltmp0:
0x11: {  	s20 =	sor.u32 $0xE000, s8;
	[dreg:$0xa] =	wrdreg s24;
	(pc) =	sbr.rel .LBB2_1-.Ltmp0, $4  }
0x12: {  	s0 =	simm.s32 $0x40;
	s5 =	simm.s32 $0x840;
	[dreg:$0xb] =	wrdreg s26  }
0x13: {  	s23 =	simm.s32 $0x2;
	[dreg:$0xc] =	wrdreg s31;
	s3 =	sadd.s32 s2, s25  }
0x14: {  	v0 =	vimm.s32 $0x0;
	vm0 =	vcmask $0x300;
	s22 =	simm.s32 $0x14840;
	s24 =	simm.s32 $0x16840;
	s25 =	simm.s32 $0x3  }
0x15: {  	v1 =	vlaneseq.u32;
	v0 =	vsel vm0, $0x3, v0;
	s26 =	simm.s32 $0x18840;
	[dreg:$0xd] =	wrdreg s3;
	s3 =	simm.s32 $0x440  }
.LBB2_16:
0x16: {  	s10 =	simm.s32 $0x5  }
0x17: {  	_ =	swait.ge [sflag:s10], $0x2000  }
0x18: {  	[sflag:s10] =	ssyncset.done $0x0  }
0x19: {  	s21 =	simm.s32 $0x6;
	[sflag:s10] =	ssyncadd.s32 $0xFFFFE000  }
0x1a: {  	_ =	swait.ge [sflag:s21], $0x2000  }
0x1b: {  	[sflag:s21] =	ssyncset.done $0x0  }
0x1c: {  	s15 =	simm.s32 $0x7;
	[sflag:s21] =	ssyncadd.s32 $0xFFFFE000  }
0x1d: {  	_ =	swait.ge [sflag:s15], $0x2000  }
0x1e: {  	[sflag:s15] =	ssyncset.done $0x0  }
0x1f: {  	s11 =	simm.s32 $0x8;
	[sflag:s15] =	ssyncadd.s32 $0xFFFFE000  }
0x20: {  	_ =	swait.ge [sflag:s11], $0x2000  }
0x21: {  	s14 =	sadd.s32 $0x1, s14;
	s31 =	rddreg [dreg:$0xe]  }
0x22: {  	p0 =	sne.s32 s14, s31  }
.Ltmp1:
0x23: {  	_ = 	snop;
	(pc) =	sbr.rel @!p0 .LBB2_17-.Ltmp1, $3  }
0x24: {  	_ =	sdelay $0x1  }
0x25: {  	[sflag:s11] =	ssyncset.done $0x0  }
0x26: {  	[sflag:s11] =	ssyncadd.s32 $0xFFFFE000  }
.LBB2_1:
0x27: {  	s10 =	rddreg [dreg:$0x6];
	s11 =	simm.s32 $0x4840  }
0x28: {  	[tilespmem:s11], [sflag:$0x1] =	stream.linear.gather [hbm4b:s10+s7], $0x2000, $0x38;
	[tilespmem:$0x1C840] =	vst v63  }
0x29: {  	s21 =	rddreg [dreg:$0x7];
	s31 =	simm.s32 $0xC840  }
0x2a: {  	[tilespmem:s31], [sflag:$0x1] =	stream.linear.gather [hbm4b:s21+s7], $0x2000, $0x38;
	[tilespmem:$0x1C840] =	vst v63  }
0x2b: {  	s12 =	simm.s32 $0x6840;
	s11 =	rddreg [dreg:$0x8]  }
0x2c: {  	[tilespmem:s12], [sflag:$0x2] =	stream.linear.gather [hbm4b:s11+s7], $0x2000, $0x38;
	[tilespmem:$0x1C840] =	vst v63  }
0x2d: {  	s13 =	rddreg [dreg:$0x9];
	s16 =	simm.s32 $0xE840  }
0x2e: {  	[tilespmem:s16], [sflag:$0x2] =	stream.linear.gather [hbm4b:s13+s7], $0x2000, $0x38;
	[tilespmem:$0x1C840] =	vst v63  }
0x2f: {  	s21 =	rddreg [dreg:$0xa];
	s31 =	simm.s32 $0x8840  }
0x30: {  	[tilespmem:s31], [sflag:$0x3] =	stream.linear.gather [hbm4b:s21+s7], $0x2000, $0x38;
	[tilespmem:$0x1C840] =	vst v63  }
0x31: {  	s12 =	rddreg [dreg:$0xb];
	s13 =	simm.s32 $0x10840;
	s21 =	simm.s32 $0x1  }
0x32: {  	[tilespmem:s13], [sflag:$0x3] =	stream.linear.gather [hbm4b:s12+s7], $0x2000, $0x38;
	[tilespmem:$0x1C840] =	vst v63  }
0x33: {  	v8 =	vmov s15;
	s16 =	rddreg [dreg:$0xc];
	s31 =	simm.s32 $0x2;
	v2 =	vmov s21;
	s21 =	simm.s32 $0x6  }
0x34: {  	v8 =	vshrl.u32 v8, $0x3;
	v3 =	vmov s31;
	[tilespmem:s29], [sflag:$0x4] =	stream.linear.gather [hbm4b:s16+s7], $0x2000, $0x38;
	[tilespmem:$0x1C840] =	vst v63  }
0x35: {  	v8 =	vshll.u32 v8, v0;
	s31 =	rddreg [dreg:$0xd];
	s12 =	simm.s32 $0x3;
	s13 =	simm.s32 $0x4;
	v2 =	vshrl.u32 v2, $0x3;
	v3 =	vshrl.u32 v3, $0x3  }
0x36: {  	v7 =	vmov s21;
	v4 =	vmov s12;
	v5 =	vmov s13;
	[tilespmem:s30], [sflag:$0x4] =	stream.linear.gather [hbm4b:s31+s7], $0x2000, $0x38;
	[tilespmem:$0x1C840] =	vst v63  }
0x37: {  	s11 =	rddreg [dreg:$0x2];
	s21 =	simm.s32 $0xA;
	v3 =	vshll.u32 v3, v0;
	v2 =	vshll.u32 v2, v0;
	v7 =	vshrl.u32 v7, $0x3;
	s13 =	simm.s32 $0x9  }
0x38: {  	v11 =	vmov s21;
	v5 =	vshrl.u32 v5, $0x3;
	v3 =	vadd.s32 $0x2, v3;
	[tilespmem:s7], [sflag:$0x9] =	stream.linear.gather [hbm4b:s11+s7], $0x40, $0x38;
	[tilespmem:$0x1C840] =	vst v63  }
0x39: {  	s12 =	simm.s32 $0x0;
	v7 =	vshll.u32 v7, v0;
	v2 =	vadd.s32 $0x1, v2;
	v4 =	vshrl.u32 v4, $0x3;
	_ =	swait.ge [sflag:s13], $0x40  }
0x3a: {  	s16 =	simm.s32 $0x5;
	v9 =	vmov s12;
	v11 =	vshrl.u32 v11, $0x3;
	v5 =	vshll.u32 v5, v0;
	[sflag:s13] =	ssyncset.done $0x0  }
0x3b: {  	v6 =	vmov s16;
	v3 =	vbroadcast v3, $0x0;
	v5 =	vadd.s32 $0x4, v5;
	[sflag:s13] =	ssyncadd.s32 $0xFFFFFFC0  }
0x3c: {  	v7 =	vadd.s32 $0x6, v7;
	v2 =	vbroadcast v2, $0x0;
	v5 =	vbroadcast v5, $0x0;
	s15 =	rddreg [dreg:$0x3]  }
0x3d: {  	v4 =	vshll.u32 v4, v0;
	v6 =	vshrl.u32 v6, $0x3;
	v7 =	vbroadcast v7, $0x0;
	[tilespmem:s0], [sflag:$0x9] =	stream.linear.gather [hbm4b:s15+s7], $0x400, $0x38;
	[tilespmem:$0x1C840] =	vst v63  }
0x3e: {  	v9 =	vshrl.u32 v9, $0x3;
	v4 =	vadd.s32 $0x3, v4;
	v6 =	vshll.u32 v6, v0;
	_ =	swait.ge [sflag:s13], $0x400  }
0x3f: {  	s16 =	simm.s32 $0x9;
	v9 =	vshll.u32 v9, v0;
	v10 =	vbroadcast v4, $0x0;
	v6 =	vadd.s32 $0x5, v6;
	[sflag:s13] =	ssyncset.done $0x0  }
0x40: {  	s31 =	simm.s32 $0xB;
	v4 =	vadd.s32 $0x7, v8;
	v8 =	vmov s16;
	v6 =	vbroadcast v6, $0x0;
	[sflag:s13] =	ssyncadd.s32 $0xFFFFFC00  }
0x41: {  	v9 =	vbroadcast v9, $0x0;
	s16 =	simm.s32 $0xE;
	v12 =	vmov s31;
	s11 =	simm.s32 $0xC;
	v8 =	vshrl.u32 v8, $0x3;
	s15 =	simm.s32 $0xD;
	v3 =	vld.idx.msk [tilespmem:v3+s7+$0x0], $0xffff  }
0x42: {  	v15 =	vmov s16;
	v13 =	vmov s11;
	v14 =	vmov s15;
	v16 =	vld.idx.msk [tilespmem:v5+s7+$0x0], $0xffff  }
0x43: {  	v5 =	vshll.u32 v11, v0;
	v11 =	vshrl.u32 v13, $0x3;
	v13 =	vshrl.u32 v14, $0x3;
	v7 =	vld.idx.msk [tilespmem:v7+s7+$0x0], $0xffff  }
0x44: {  	s31 =	simm.s32 $0x8;
	v17 =	vshll.u32 v8, v0;
	v14 =	vld.idx.msk [tilespmem:v2+s7+$0x0], $0xffff;
	v5 =	vadd.s32 $0x2, v5;
	v2 =	vshll.u32 v13, v0  }
0x45: {  	v8 =	vshll.u32 v11, v0;
	v11 =	vshrl.u32 v15, $0x3;
	v15 =	vmov s31  }
0x46: {  	s15 =	simm.s32 $0x480;
	v13 =	vld.idx.msk [tilespmem:v6+s7+$0x0], $0xffff;
	v2 =	vadd.s32 $0x5, v2;
	v6 =	vadd.s32 $0x4, v8;
	v8 =	vbroadcast v4, $0x0  }
0x47: {  	v9 =	vld.idx.msk [tilespmem:v9+s7+$0x0], $0xffff;
	v5 =	vbroadcast v5, $0x0;
	v4 =	vshll.u32 v11, v0;
	v11 =	vshrl.u32 v12, $0x3;
	[tilespmem:s15+$0xFFFFFFE0] =	vst v3  }
0x48: {  	s21 =	simm.s32 $0xF;
	v2 =	vbroadcast v2, $0x0;
	v3 =	vbroadcast v6, $0x0;
	v6 =	vadd.s32 $0x1, v17;
	[tilespmem:s15+$0x20] =	vst v7;
	v7 =	vld.idx.msk [tilespmem:v10+s7+$0x0], $0xffff  }
0x49: {  	v12 =	vadd.s32 $0x6, v4;
	[tilespmem:s15+$0xFFFFFFD0] =	vst v14;
	v14 =	vmov s21;
	v4 =	vbroadcast v6, $0x0  }
0x4a: {  	v11 =	vshll.u32 v11, v0;
	[tilespmem:s15+$0x0] =	vst v16;
	v6 =	vbroadcast v12, $0x0;
	v12 =	vshrl.u32 v14, $0x3  }
0x4b: {  	s10 =	simm.s32 $0x500;
	s12 =	simm.s32 $0x17;
	s11 =	simm.s32 $0x80;
	v11 =	vadd.s32 $0x3, v11;
	v10 =	vshrl.u32 v15, $0x3;
	[tilespmem:s15+$0x10] =	vst v13;
	v12 =	vshll.u32 v12, v0  }
.LBB2_2:
0x4c: {  	s13 =	sadd.s32 $0xFFFFFFFA, s12;
	s16 =	sadd.s32 $0xFFFFFFFB, s12;
	s21 =	sadd.s32 $0xFFFFFFFC, s12;
	v10 =	vshll.u32 v10, v0;
	v11 =	vbroadcast v11, $0x0;
	v12 =	vadd.s32 $0x7, v12;
	[tilespmem:s15+$0xFFFFFFC0] =	vst v9;
	v8 =	vld.idx.msk [tilespmem:v8+s7+$0x0], $0xffff  }
0x4d: {  	s31 =	sadd.s32 $0xFFFFFFFF, s12;
	v9 =	vmov s13;
	v13 =	vmov s16;
	s13 =	sadd.s32 $0xFFFFFFFD, s12;
	s16 =	sadd.s32 $0xFFFFFFFE, s12;
	v10 =	vbroadcast v10, $0x0;
	v5 =	vld.idx.msk [tilespmem:v5+s7+$0x0], $0xffff;
	[tilespmem:s15+$0xFFFFFFF0] =	vst v7  }
0x4e: {  	s11 =	sadd.s32 $0x80, s11;
	v14 =	vmov s21;
	v7 =	vmov s13;
	v15 =	vmov s16;
	v16 =	vld.idx.msk [tilespmem:v3+s7+$0x0], $0xffff  }
0x4f: {  	p0 =	slt.u32 s11, $0x380;
	v3 =	vshrl.u32 v9, $0x3;
	v9 =	vshrl.u32 v13, $0x3;
	v13 =	vmov s31;
	v4 =	vld.idx.msk [tilespmem:v4+s7+$0x0], $0xffff  }
0x50: {  	v9 =	vshll.u32 v9, v0;
	v7 =	vshrl.u32 v7, $0x3;
	v15 =	vshrl.u32 v15, $0x3;
	v6 =	vld.idx.msk [tilespmem:v6+s7+$0x0], $0xffff  }
0x51: {  	v17 =	vshll.u32 v3, v0;
	v3 =	vadd.s32 $0x2, v9;
	v9 =	vshll.u32 v15, v0  }
0x52: {  	v13 =	vshrl.u32 v13, $0x3;
	v7 =	vshll.u32 v7, v0;
	v9 =	vadd.s32 $0x5, v9;
	v15 =	vld.idx.msk [tilespmem:v2+s7+$0x0], $0xffff;
	[tilespmem:s15+$0x30] =	vst v8;
	s15 =	smov.u32 s10  }
0x53: {  	v7 =	vadd.s32 $0x4, v7;
	v2 =	vbroadcast v9, $0x0;
	v8 =	vbroadcast v12, $0x0;
	v9 =	vld.idx.msk [tilespmem:v10+s7+$0x0], $0xffff;
	[tilespmem:s10+$0xFFFFFFE0] =	vst v5  }
.Ltmp2:
0x54: {  	v5 =	vbroadcast v3, $0x0;
	v3 =	vbroadcast v7, $0x0;
	v10 =	vshll.u32 v13, v0;
	v7 =	vld.idx.msk [tilespmem:v11+s7+$0x0], $0xffff;
	[tilespmem:s10+$0x0] =	vst v16;
	(pc) =	sbr.rel @p0 .LBB2_2-.Ltmp2, $4  }
0x55: {  	v12 =	vshrl.u32 v14, $0x3;
	v11 =	vadd.s32 $0x1, v17;
	v10 =	vadd.s32 $0x6, v10;
	[tilespmem:s10+$0xFFFFFFD0] =	vst v4  }
0x56: {  	s13 =	sadd.s32 $0xFFFFFFF9, s12;
	v4 =	vbroadcast v11, $0x0;
	v11 =	vshll.u32 v12, v0;
	v12 =	vmov s12;
	[tilespmem:s10+$0x20] =	vst v6  }
0x57: {  	v13 =	vmov s13;
	v6 =	vbroadcast v10, $0x0;
	v12 =	vshrl.u32 v12, $0x3  }
0x58: {  	s12 =	sadd.s32 $0x8, s12;
	v10 =	vshrl.u32 v13, $0x3;
	v11 =	vadd.s32 $0x3, v11;
	s10 =	sadd.s32 $0x80, s10;
	v12 =	vshll.u32 v12, v0;
	[tilespmem:s15+$0x10] =	vst v15  }
0x59: {  	_ =	sdelay $0x3  }
0x5a: {  	v10 =	vshll.u32 v10, v0;
	v11 =	vbroadcast v11, $0x0;
	v12 =	vadd.s32 $0x7, v12;
	s11 =	simm.s32 $0x1;
	v8 =	vld.idx.msk [tilespmem:v8+s7+$0x0], $0xffff  }
0x5b: {  	s12 =	simm.s32 $0x2;
	s13 =	simm.s32 $0x3;
	s16 =	simm.s32 $0x4;
	v5 =	vld.idx.msk [tilespmem:v5+s7+$0x0], $0xffff;
	v10 =	vbroadcast v10, $0x0;
	v12 =	vbroadcast v12, $0x0;
	v13 =	vmov s11  }
0x5c: {  	s21 =	simm.s32 $0x5;
	v3 =	vld.idx.msk [tilespmem:v3+s7+$0x0], $0xffff;
	s31 =	simm.s32 $0x6;
	v14 =	vmov s12;
	v15 =	vmov s13;
	v16 =	vmov s16  }
0x5d: {  	[tilespmem:s15+$0xFFFFFFC0] =	vst v9;
	v4 =	vld.idx.msk [tilespmem:v4+s7+$0x0], $0xffff;
	v9 =	vmov s21;
	v51 =	vmov s31;
	v13 =	vshrl.u32 v13, $0x3  }
0x5e: {  	[tilespmem:s15+$0xFFFFFFF0] =	vst v7;
	v6 =	vld.idx.msk [tilespmem:v6+s7+$0x0], $0xffff;
	s13 =	simm.s32 $0x7;
	s31 =	simm.s32 $0xB;
	v14 =	vshrl.u32 v14, $0x3;
	v7 =	vshrl.u32 v16, $0x3;
	v9 =	vshrl.u32 v9, $0x3  }
0x5f: {  	v2 =	vld.idx.msk [tilespmem:v2+s7+$0x0], $0xffff;
	v52 =	vshrl.u32 v51, $0x3;
	v53 =	vmov s13;
	v54 =	vmov s31  }
0x60: {  	s13 =	simm.s32 $0xC;
	v13 =	vshll.u32 v13, v0;
	v14 =	vshll.u32 v14, v0;
	v9 =	vshll.u32 v9, v0;
	[tilespmem:s15+$0x30] =	vst v8  }
0x61: {  	v7 =	vshll.u32 v7, v0;
	v55 =	vmov s13;
	v9 =	vadd.s32 $0x5, v9;
	[tilespmem:s10+$0xFFFFFFE0] =	vst v5;
	v11 =	vld.idx.msk [tilespmem:v11+s7+$0x0], $0xffff  }
0x62: {  	v7 =	vadd.s32 $0x4, v7;
	v8 =	vshrl.u32 v15, $0x3;
	v5 =	vadd.s32 $0x1, v13;
	[tilespmem:s10+$0x0] =	vst v3;
	v10 =	vld.idx.msk [tilespmem:v10+s7+$0x0], $0xffff  }
0x63: {  	v9 =	vbroadcast v9, $0x0;
	v3 =	vadd.s32 $0x2, v14;
	v7 =	vbroadcast v7, $0x0;
	[tilespmem:s10+$0xFFFFFFD0] =	vst v4;
	s15 =	simm.s32 $0x0;
	v4 =	vld.idx.msk [tilespmem:v12+s7+$0x0], $0xffff  }
0x64: {  	[tilespmem:s10+$0x10] =	vst v2;
	v8 =	vshll.u32 v8, v0;
	v3 =	vbroadcast v3, $0x0;
	v2 =	vmov s15  }
0x65: {  	[tilespmem:s10+$0x20] =	vst v6;
	v5 =	vbroadcast v5, $0x0;
	s15 =	simm.s32 $0xD;
	v8 =	vadd.s32 $0x3, v8;
	v12 =	vshrl.u32 v53, $0x3  }
0x66: {  	v2 =	vshrl.u32 v2, $0x3;
	v56 =	vmov s15;
	v6 =	vbroadcast v8, $0x0;
	[tilespmem:s10+$0xFFFFFFF0] =	vst v11  }
0x67: {  	v8 =	vshll.u32 v52, v0;
	v2 =	vshll.u32 v2, v0;
	v58 =	vshrl.u32 v56, $0x3;
	[tilespmem:s10+$0xFFFFFFC0] =	vst v10  }
0x68: {  	v8 =	vadd.s32 $0x6, v8;
	v57 =	vbroadcast v2, $0x0;
	v10 =	vshll.u32 v12, v0;
	[tilespmem:s10+$0x30] =	vst v4  }
0x69: {  	s21 =	simm.s32 $0xA;
	v2 =	vshrl.u32 v55, $0x3;
	v8 =	vbroadcast v8, $0x0;
	v10 =	vadd.s32 $0x7, v10;
	v9 =	vld.idx.msk [tilespmem:v9+s0+$0x0], $0xffff  }
0x6a: {  	s16 =	simm.s32 $0x9;
	v2 =	vshll.u32 v2, v0;
	v11 =	vmov s21;
	v7 =	vld.idx.msk [tilespmem:v7+s0+$0x0], $0xffff;
	v10 =	vbroadcast v10, $0x0  }
0x6b: {  	v2 =	vadd.s32 $0x4, v2;
	v4 =	vmov s16;
	s16 =	simm.s32 $0xE;
	v11 =	vshrl.u32 v11, $0x3  }
0x6c: {  	v4 =	vshrl.u32 v4, $0x3;
	v59 =	vmov s16;
	v60 =	vld.idx.msk [tilespmem:v5+s0+$0x0], $0xffff;
	v5 =	vshll.u32 v58, v0  }
0x6d: {  	s10 =	simm.s32 $0x880;
	v11 =	vshll.u32 v11, v0;
	v61 =	vld.idx.msk [tilespmem:v3+s0+$0x0], $0xffff;
	v4 =	vshll.u32 v4, v0;
	v5 =	vadd.s32 $0x5, v5  }
0x6e: {  	v3 =	vshrl.u32 v54, $0x3;
	v6 =	vld.idx.msk [tilespmem:v6+s0+$0x0], $0xffff;
	v5 =	vbroadcast v5, $0x0;
	[tilespmem:s10+$0x10] =	vst v9;
	v9 =	vadd.s32 $0x1, v4  }
0x6f: {  	v62 =	vld.idx.msk [tilespmem:v8+s0+$0x0], $0xffff;
	[tilespmem:s10+$0x0] =	vst v7;
	v4 =	vadd.s32 $0x2, v11;
	v7 =	vshll.u32 v3, v0;
	v3 =	vbroadcast v2, $0x0  }
0x70: {  	s21 =	simm.s32 $0xF;
	v2 =	vbroadcast v4, $0x0;
	v4 =	vadd.s32 $0x3, v7;
	v7 =	vshrl.u32 v59, $0x3;
	v8 =	vld.idx.msk [tilespmem:v10+s0+$0x0], $0xffff  }
0x71: {  	[tilespmem:s10+$0xFFFFFFD0] =	vst v60;
	v11 =	vshll.u32 v7, v0;
	v7 =	vmov s21  }
0x72: {  	s31 =	simm.s32 $0x8;
	[tilespmem:s10+$0xFFFFFFE0] =	vst v61;
	v4 =	vbroadcast v4, $0x0;
	v63 =	vshrl.u32 v7, $0x3;
	v7 =	vld.idx.msk [tilespmem:v57+s0+$0x0], $0xffff  }
0x73: {  	[tilespmem:s10+$0xFFFFFFF0] =	vst v6;
	v6 =	vbroadcast v9, $0x0;
	v10 =	vmov s31  }
0x74: {  	s12 =	simm.s32 $0x80;
	s11 =	simm.s32 $0x900;
	s13 =	simm.s32 $0x17;
	v9 =	vshrl.u32 v10, $0x3;
	v10 =	vadd.s32 $0x6, v11;
	[tilespmem:s10+$0x20] =	vst v62;
	v11 =	vshll.u32 v63, v0  }
.LBB2_4:
0x75: {  	s15 =	sadd.s32 $0xFFFFFFFA, s13;
	s16 =	sadd.s32 $0xFFFFFFFB, s13;
	s21 =	sadd.s32 $0xFFFFFFFC, s13;
	v9 =	vshll.u32 v9, v0;
	v5 =	vld.idx.msk [tilespmem:v5+s0+$0x0], $0xffff;
	v10 =	vbroadcast v10, $0x0;
	v11 =	vadd.s32 $0x7, v11;
	[tilespmem:s10+$0x30] =	vst v8  }
0x76: {  	s31 =	sadd.s32 $0xFFFFFFFF, s13;
	v8 =	vmov s15;
	v12 =	vmov s16;
	s15 =	sadd.s32 $0xFFFFFFFD, s13;
	s16 =	sadd.s32 $0xFFFFFFFE, s13;
	v3 =	vld.idx.msk [tilespmem:v3+s0+$0x0], $0xffff;
	v11 =	vbroadcast v11, $0x0  }
0x77: {  	s12 =	sadd.s32 $0x80, s12;
	v13 =	vmov s21;
	v14 =	vmov s15;
	v15 =	vmov s16;
	[tilespmem:s10+$0xFFFFFFC0] =	vst v7;
	s10 =	smov.u32 s11  }
0x78: {  	p0 =	slt.u32 s12, $0x3F80;
	v9 =	vbroadcast v9, $0x0;
	v7 =	vshrl.u32 v8, $0x3;
	v8 =	vshrl.u32 v12, $0x3;
	v4 =	vld.idx.msk [tilespmem:v4+s0+$0x0], $0xffff  }
0x79: {  	v12 =	vshrl.u32 v14, $0x3;
	v14 =	vshrl.u32 v15, $0x3;
	v15 =	vmov s31;
	v6 =	vld.idx.msk [tilespmem:v6+s0+$0x0], $0xffff  }
0x7a: {  	v7 =	vshll.u32 v7, v0;
	v16 =	vshll.u32 v8, v0;
	v8 =	vshll.u32 v14, v0;
	v14 =	vld.idx.msk [tilespmem:v2+s0+$0x0], $0xffff  }
0x7b: {  	v12 =	vshll.u32 v12, v0;
	v2 =	vshrl.u32 v13, $0x3;
	v8 =	vadd.s32 $0x5, v8;
	[tilespmem:s11+$0x10] =	vst v5;
	v13 =	vld.idx.msk [tilespmem:v10+s0+$0x0], $0xffff  }
0x7c: {  	v10 =	vadd.s32 $0x1, v7;
	v7 =	vadd.s32 $0x4, v12;
	v5 =	vbroadcast v8, $0x0;
	[tilespmem:s11+$0x0] =	vst v3;
	v8 =	vld.idx.msk [tilespmem:v11+s0+$0x0], $0xffff  }
.Ltmp3:
0x7d: {  	v12 =	vshll.u32 v2, v0;
	v11 =	vadd.s32 $0x2, v16;
	v3 =	vbroadcast v7, $0x0;
	(pc) =	sbr.rel @p0 .LBB2_4-.Ltmp3, $4  }
0x7e: {  	v2 =	vbroadcast v11, $0x0;
	v11 =	vadd.s32 $0x3, v12;
	v12 =	vshrl.u32 v15, $0x3;
	v7 =	vld.idx.msk [tilespmem:v9+s0+$0x0], $0xffff;
	[tilespmem:s11+$0xFFFFFFF0] =	vst v4  }
0x7f: {  	s15 =	sadd.s32 $0xFFFFFFF9, s13;
	v4 =	vbroadcast v11, $0x0;
	v11 =	vshll.u32 v12, v0;
	v9 =	vmov s13;
	[tilespmem:s11+$0xFFFFFFD0] =	vst v6  }
0x80: {  	v12 =	vmov s15;
	v6 =	vbroadcast v10, $0x0;
	v15 =	vshrl.u32 v9, $0x3;
	[tilespmem:s11+$0xFFFFFFE0] =	vst v14  }
0x81: {  	s13 =	sadd.s32 $0x8, s13;
	v9 =	vshrl.u32 v12, $0x3;
	v10 =	vadd.s32 $0x6, v11;
	v11 =	vshll.u32 v15, v0;
	s11 =	sadd.s32 $0x80, s11;
	[tilespmem:s10+$0x20] =	vst v13  }
0x82: {  	_ =	sdelay $0x2  }
0x83: {  	v10 =	vbroadcast v10, $0x0;
	v11 =	vadd.s32 $0x7, v11  }
0x84: {  	v9 =	vshll.u32 v9, v0;
	v5 =	vld.idx.msk [tilespmem:v5+s0+$0x0], $0xffff;
	v11 =	vbroadcast v11, $0x0  }
0x85: {  	v3 =	vld.idx.msk [tilespmem:v3+s0+$0x0], $0xffff;
	v9 =	vbroadcast v9, $0x0  }
0x86: {  	v4 =	vld.idx.msk [tilespmem:v4+s0+$0x0], $0xffff  }
0x87: {  	[tilespmem:s10+$0x30] =	vst v8;
	v6 =	vld.idx.msk [tilespmem:v6+s0+$0x0], $0xffff  }
0x88: {  	v2 =	vld.idx.msk [tilespmem:v2+s0+$0x0], $0xffff;
	[tilespmem:s10+$0xFFFFFFC0] =	vst v7  }
0x89: {  	[tilespmem:s11+$0x10] =	vst v5;
	v62 =	vld.idx.msk [tilespmem:v10+s0+$0x0], $0xffff  }
0x8a: {  	[tilespmem:s11+$0x0] =	vst v3;
	v3 =	vld.idx.msk [tilespmem:v11+s0+$0x0], $0xffff  }
0x8b: {  	[tilespmem:s11+$0xFFFFFFF0] =	vst v4;
	v63 =	vld.idx.msk [tilespmem:v9+s0+$0x0], $0xffff  }
0x8c: {  	[tilespmem:s11+$0xFFFFFFD0] =	vst v6  }
0x8d: {  	[tilespmem:s11+$0xFFFFFFE0] =	vst v2  }
0x8e: {  	[tilespmem:s11+$0x20] =	vst v62  }
0x8f: {  	[tilespmem:s11+$0x30] =	vst v3  }
0x90: {  	s15 =	simm.s32 $0x0;
	[tilespmem:s11+$0xFFFFFFC0] =	vst v63  }
.LBB2_6:
0x91: {  	_ =	swait.ge [sflag:s4], $0x2000  }
0x92: {  	[sflag:s4] =	ssyncset.done $0x0  }
0x93: {  	[sflag:s4] =	ssyncadd.s32 $0xFFFFE000  }
0x94: {  	_ =	swait.ge [sflag:s4], $0x2000  }
0x95: {  	p0 =	seq.s32 s15, $0x0;
	[sflag:s4] =	ssyncset.done $0x0  }
0x96: {  	s10 =	simm.s32 @!p0 $0x5;
	[sflag:s4] =	ssyncadd.s32 $0xFFFFE000  }
0x97: {  	_ =	swait.ge @!p0 [sflag:s10], $0x2000  }
0x98: {  	[sflag:s10] =	ssyncset.done @!p0 $0x0  }
0x99: {  	s31 =	simm.s32 $0x4880;
	[sflag:s10] =	ssyncadd.s32 @!p0 $0xFFFFE000  }
0x9a: {  	s21 =	simm.s32 $0xC880;
	v2 =	vld [tilespmem:s31+$0x30]  }
0x9b: {  	v3 =	vld [tilespmem:s21+$0x30]  }
0x9c: {  	v4 =	vld [tilespmem:s21+$0xFFFFFFC0]  }
0x9d: {  	v5 =	vld [tilespmem:s31+$0xFFFFFFD0]  }
0x9e: {  	v6 =	vld [tilespmem:s21+$0xFFFFFFD0]  }
0x9f: {  	v7 =	vld [tilespmem:s31+$0xFFFFFFE0]  }
0xa0: {  	v8 =	vld [tilespmem:s21+$0xFFFFFFE0]  }
0xa1: {  	v9 =	vld [tilespmem:s31+$0xFFFFFFF0]  }
0xa2: {  	v10 =	vld [tilespmem:s21+$0xFFFFFFF0]  }
0xa3: {  	v11 =	vld [tilespmem:s31+$0x0];
	v2 =	vshll.u32 v2, $0x4  }
0xa4: {  	v12 =	vld [tilespmem:s21+$0x0];
	v2 =	vor.u32 v1, v2  }
0xa5: {  	v14 =	vld [tilespmem:s21+$0x10];
	v7 =	vshll.u32 v7, $0x4  }
0xa6: {  	v17 =	vld [tilespmem:s31+$0xFFFFFFC0];
	v3 =	vshll.u32 v3, $0x4;
	v7 =	vor.u32 v1, v7  }
0xa7: {  	v15 =	vld [tilespmem:s31+$0x20];
	v9 =	vshll.u32 v9, $0x4;
	v3 =	vor.u32 v1, v3  }
0xa8: {  	v16 =	vld [tilespmem:s21+$0x20];
	v10 =	vshll.u32 v10, $0x4;
	v9 =	vor.u32 v1, v9  }
0xa9: {  	v10 =	vor.u32 v1, v10;
	v13 =	vld.idx.msk [tilespmem:v2+s3+$0x0], $0xffff;
	v2 =	vshll.u32 v4, $0x4;
	v4 =	vshll.u32 v5, $0x4  }
0xaa: {  	v6 =	vshll.u32 v6, $0x4;
	v5 =	vld [tilespmem:s31+$0x10];
	v4 =	vor.u32 v1, v4  }
0xab: {  	v8 =	vshll.u32 v8, $0x4;
	v6 =	vor.u32 v1, v6;
	v63 =	vld.idx.msk [tilespmem:v7+s3+$0x0], $0xffff;
	v7 =	vshll.u32 v17, $0x4  }
0xac: {  	v8 =	vor.u32 v1, v8;
	v3 =	vld.idx.msk [tilespmem:v3+s5+$0x0], $0xffff;
	v17 =	vor.u32 v1, v7;
	v7 =	vshll.u32 v15, $0x4  }
0xad: {  	v9 =	vld.idx.msk [tilespmem:v9+s3+$0x0], $0xffff;
	v2 =	vor.u32 v1, v2;
	v15 =	vor.u32 v1, v7;
	v7 =	vshll.u32 v16, $0x4  }
0xae: {  	v11 =	vshll.u32 v11, $0x4;
	v10 =	vld.idx.msk [tilespmem:v10+s5+$0x0], $0xffff;
	v16 =	vor.u32 v1, v7  }
0xaf: {  	v18 =	vld.idx.msk [tilespmem:v4+s3+$0x0], $0xffff;
	v4 =	vor.u32 v1, v11;
	v11 =	vshll.u32 v12, $0x4  }
0xb0: {  	v6 =	vld.idx.msk [tilespmem:v6+s5+$0x0], $0xffff;
	v5 =	vshll.u32 v5, $0x4;
	v11 =	vor.u32 v1, v11  }
0xb1: {  	v8 =	vld.idx.msk [tilespmem:v8+s5+$0x0], $0xffff;
	v5 =	vor.u32 v1, v5  }
0xb2: {  	v14 =	vshll.u32 v14, $0x4;
	v2 =	vld.idx.msk [tilespmem:v2+s5+$0x0], $0xffff  }
0xb3: {  	v14 =	vor.u32 v1, v14;
	v10 =	vmul.f32 v10, v9;
	v9 =	vld.idx.msk [tilespmem:v16+s5+$0x0], $0xffff  }
0xb4: {  	v4 =	vld.idx.msk [tilespmem:v4+s3+$0x0], $0xffff  }
0xb5: {  	v7 =	vld.idx.msk [tilespmem:v11+s5+$0x0], $0xffff;
	v11 =	vmul.f32 v3, v13  }
0xb6: {  	s10 =	simm.s32 $0x14880;
	v3 =	vld.idx.msk [tilespmem:v5+s3+$0x0], $0xffff;
	v5 =	vmul.f32 v6, v18  }
0xb7: {  	v6 =	vld.idx.msk [tilespmem:v17+s3+$0x0], $0xffff;
	[tilespmem:s10+$0x30] =	vst v11;
	v11 =	vmul.f32 v8, v63  }
0xb8: {  	v8 =	vld.idx.msk [tilespmem:v14+s5+$0x0], $0xffff;
	[tilespmem:s10+$0xFFFFFFD0] =	vst v5  }
0xb9: {  	s16 =	sshll.u32 s15, $0xF;
	s11 =	simm.s32 $0x0;
	s13 =	simm.s32 $0x4900;
	v5 =	vld.idx.msk [tilespmem:v15+s3+$0x0], $0xffff;
	[tilespmem:s10+$0xFFFFFFE0] =	vst v11  }
.LBB2_7:
0xba: {  	v11 =	vld [tilespmem:s13+$0x30];
	[tilespmem:s10+$0xFFFFFFF0] =	vst v10;
	v4 =	vmul.f32 v7, v4;
	s21 =	sadd.s32 $0x80, s21  }
0xbb: {  	s11 =	sadd.s32 $0x80, s11;
	v7 =	vld [tilespmem:s21+$0x30]  }
0xbc: {  	p1 =	slt.u32 s11, $0x1F80;
	v2 =	vmul.f32 v2, v6;
	v10 =	vld [tilespmem:s21+$0xFFFFFFC0];
	[tilespmem:s10+$0x0] =	vst v4  }
0xbd: {  	v3 =	vmul.f32 v8, v3;
	v4 =	vld [tilespmem:s13+$0xFFFFFFD0]  }
0xbe: {  	v6 =	vld [tilespmem:s21+$0xFFFFFFD0];
	[tilespmem:s10+$0xFFFFFFC0] =	vst v2  }
0xbf: {  	v2 =	vld [tilespmem:s13+$0xFFFFFFE0];
	v8 =	vshll.u32 v11, $0x4;
	[tilespmem:s10+$0x10] =	vst v3;
	v3 =	vmul.f32 v9, v5  }
0xc0: {  	v5 =	vld [tilespmem:s21+$0xFFFFFFE0];
	v8 =	vor.u32 v1, v8;
	v7 =	vshll.u32 v7, $0x4  }
0xc1: {  	v9 =	vshll.u32 v10, $0x4;
	v10 =	vld [tilespmem:s13+$0xFFFFFFF0];
	v7 =	vor.u32 v1, v7;
	[tilespmem:s10+$0x20] =	vst v3  }
0xc2: {  	v3 =	vor.u32 v1, v9;
	v4 =	vshll.u32 v4, $0x4;
	v9 =	vld [tilespmem:s21+$0xFFFFFFF0]  }
0xc3: {  	v4 =	vor.u32 v1, v4;
	v6 =	vshll.u32 v6, $0x4;
	v11 =	vld [tilespmem:s13+$0x0]  }
0xc4: {  	v6 =	vor.u32 v1, v6;
	v2 =	vshll.u32 v2, $0x4;
	v12 =	vld [tilespmem:s21+$0x0]  }
0xc5: {  	v13 =	vor.u32 v1, v2;
	v2 =	vshll.u32 v5, $0x4;
	v5 =	vld.idx.msk [tilespmem:v8+s3+$0x0], $0xffff  }
0xc6: {  	v8 =	vor.u32 v1, v2;
	v2 =	vshll.u32 v10, $0x4;
	v7 =	vld.idx.msk [tilespmem:v7+s5+$0x0], $0xffff  }
0xc7: {  	v10 =	vor.u32 v1, v2;
	v2 =	vshll.u32 v9, $0x4;
	v9 =	vld [tilespmem:s13+$0x10]  }
0xc8: {  	v14 =	vor.u32 v1, v2;
	v2 =	vshll.u32 v11, $0x4;
	v11 =	vld [tilespmem:s21+$0x10]  }
0xc9: {  	v15 =	vor.u32 v1, v2;
	v2 =	vshll.u32 v12, $0x4;
	v12 =	vld [tilespmem:s13+$0x20]  }
0xca: {  	v16 =	vor.u32 v1, v2;
	v17 =	vld [tilespmem:s21+$0x20]  }
0xcb: {  	v18 =	vld [tilespmem:s13+$0xFFFFFFC0]  }
0xcc: {  	v5 =	vmul.f32 v7, v5;
	v2 =	vld.idx.msk [tilespmem:v3+s5+$0x0], $0xffff;
	v3 =	vshll.u32 v9, $0x4  }
0xcd: {  	s10 =	sadd.s32 $0x80, s10;
	v7 =	vld.idx.msk [tilespmem:v4+s3+$0x0], $0xffff;
	v3 =	vor.u32 v1, v3;
	v4 =	vshll.u32 v11, $0x4  }
0xce: {  	v6 =	vld.idx.msk [tilespmem:v6+s5+$0x0], $0xffff;
	v9 =	vor.u32 v1, v4;
	v4 =	vshll.u32 v12, $0x4;
	[tilespmem:s10+$0x30] =	vst v5  }
0xcf: {  	v5 =	vld.idx.msk [tilespmem:v13+s3+$0x0], $0xffff;
	v11 =	vor.u32 v1, v4;
	v4 =	vshll.u32 v17, $0x4  }
0xd0: {  	v12 =	vshll.u32 v18, $0x4;
	v8 =	vld.idx.msk [tilespmem:v8+s5+$0x0], $0xffff;
	v13 =	vor.u32 v1, v4  }
0xd1: {  	v12 =	vor.u32 v1, v12;
	v10 =	vld.idx.msk [tilespmem:v10+s3+$0x0], $0xffff  }
0xd2: {  	v14 =	vld.idx.msk [tilespmem:v14+s5+$0x0], $0xffff  }
0xd3: {  	v4 =	vld.idx.msk [tilespmem:v15+s3+$0x0], $0xffff  }
0xd4: {  	v15 =	vmul.f32 v6, v7;
	v7 =	vld.idx.msk [tilespmem:v16+s5+$0x0], $0xffff  }
.Ltmp4:
0xd5: {  	v3 =	vld.idx.msk [tilespmem:v3+s3+$0x0], $0xffff;
	(pc) =	sbr.rel @p1 .LBB2_7-.Ltmp4, $4  }
0xd6: {  	v5 =	vmul.f32 v8, v5;
	v6 =	vld.idx.msk [tilespmem:v12+s3+$0x0], $0xffff;
	[tilespmem:s10+$0xFFFFFFD0] =	vst v15  }
0xd7: {  	v8 =	vld.idx.msk [tilespmem:v9+s5+$0x0], $0xffff  }
0xd8: {  	v10 =	vmul.f32 v14, v10;
	[tilespmem:s10+$0xFFFFFFE0] =	vst v5;
	v5 =	vld.idx.msk [tilespmem:v11+s3+$0x0], $0xffff  }
0xd9: {  	s13 =	sadd.s32 $0x80, s13;
	v9 =	vld.idx.msk [tilespmem:v13+s5+$0x0], $0xffff  }
0xda: {  	_ = 	snop  }
0xdb: {  	v4 =	vmul.f32 v7, v4  }
0xdc: {  	[tilespmem:s10+$0xFFFFFFF0] =	vst v10;
	v2 =	vmul.f32 v2, v6  }
0xdd: {  	[tilespmem:s10+$0x0] =	vst v4;
	v3 =	vmul.f32 v8, v3  }
0xde: {  	s11 =	sor.u32 s8, s16;
	[tilespmem:s10+$0xFFFFFFC0] =	vst v2;
	v2 =	vmul.f32 v9, v5  }
0xdf: {  	p1 =	seq.s32 s15, $0x7;
	s21 =	sshrl.u32 s11, $0x3;
	[tilespmem:s10+$0x10] =	vst v3  }
0xe0: {  	s13 =	sadd.s32 s6, s21;
	[tilespmem:s10+$0x20] =	vst v2;
	s10 =	sadd.s32 @!p1 s16, s17  }
0xe1: {  	[hbm4b:s13+s7] =	stream.linear.scatter [tilespmem:s22], [sflag:$0x5], $0x2000, $0x38;
	[tilespmem:$0x1C840] =	vst v63  }
0xe2: {  	s10 =	sshrl.u32 @!p1 s10, $0x3  }
0xe3: {  	s12 =	simm.s32 @!p1 $0x0;
	s13 =	simm.s32 @!p1 $0x4840;
	s11 =	sadd.s32 @!p1 s1, s10  }
0xe4: {  	[tilespmem:s13], [sflag:$0x1] =	stream.linear.gather @!p1 [hbm4b:s11+s12], $0x2000, $0x38;
	[tilespmem:$0x1C840] =	vst v63  }
0xe5: {  	s10 =	sadd.s32 @!p1 s2, s10;
	s11 =	simm.s32 @!p1 $0xC840  }
0xe6: {  	[tilespmem:s11], [sflag:$0x1] =	stream.linear.gather @!p1 [hbm4b:s10+s12], $0x2000, $0x38;
	[tilespmem:$0x1C840] =	vst v63  }
0xe7: {  	_ =	swait.ge [sflag:s23], $0x2000  }
0xe8: {  	[sflag:s23] =	ssyncset.done $0x0  }
0xe9: {  	[sflag:s23] =	ssyncadd.s32 $0xFFFFE000  }
0xea: {  	_ =	swait.ge [sflag:s23], $0x2000  }
0xeb: {  	[sflag:s23] =	ssyncset.done $0x0  }
0xec: {  	s10 =	simm.s32 @!p0 $0x6;
	[sflag:s23] =	ssyncadd.s32 $0xFFFFE000  }
0xed: {  	_ =	swait.ge @!p0 [sflag:s10], $0x2000  }
0xee: {  	[sflag:s10] =	ssyncset.done @!p0 $0x0  }
0xef: {  	s31 =	simm.s32 $0x6880;
	[sflag:s10] =	ssyncadd.s32 @!p0 $0xFFFFE000  }
0xf0: {  	s10 =	simm.s32 $0xE880;
	v2 =	vld [tilespmem:s31+$0x30]  }
0xf1: {  	v3 =	vld [tilespmem:s10+$0x30]  }
0xf2: {  	v4 =	vld [tilespmem:s10+$0xFFFFFFC0]  }
0xf3: {  	v5 =	vld [tilespmem:s31+$0xFFFFFFD0]  }
0xf4: {  	v6 =	vld [tilespmem:s10+$0xFFFFFFD0]  }
0xf5: {  	v7 =	vld [tilespmem:s31+$0xFFFFFFE0]  }
0xf6: {  	v8 =	vld [tilespmem:s10+$0xFFFFFFE0]  }
0xf7: {  	v9 =	vld [tilespmem:s31+$0xFFFFFFF0]  }
0xf8: {  	v10 =	vld [tilespmem:s10+$0xFFFFFFF0]  }
0xf9: {  	v11 =	vld [tilespmem:s31+$0x0];
	v2 =	vshll.u32 v2, $0x4  }
0xfa: {  	v12 =	vld [tilespmem:s10+$0x0];
	v2 =	vor.u32 v1, v2  }
0xfb: {  	v14 =	vld [tilespmem:s10+$0x10];
	v7 =	vshll.u32 v7, $0x4  }
0xfc: {  	v17 =	vld [tilespmem:s31+$0xFFFFFFC0];
	v3 =	vshll.u32 v3, $0x4;
	v7 =	vor.u32 v1, v7  }
0xfd: {  	v15 =	vld [tilespmem:s31+$0x20];
	v9 =	vshll.u32 v9, $0x4;
	v3 =	vor.u32 v1, v3  }
0xfe: {  	v16 =	vld [tilespmem:s10+$0x20];
	v10 =	vshll.u32 v10, $0x4;
	v9 =	vor.u32 v1, v9  }
0xff: {  	v10 =	vor.u32 v1, v10;
	v13 =	vld.idx.msk [tilespmem:v2+s3+$0x0], $0xffff;
	v2 =	vshll.u32 v4, $0x4;
	v4 =	vshll.u32 v5, $0x4  }
0x100: {  	v6 =	vshll.u32 v6, $0x4;
	v5 =	vld [tilespmem:s31+$0x10];
	v4 =	vor.u32 v1, v4  }
0x101: {  	v8 =	vshll.u32 v8, $0x4;
	v6 =	vor.u32 v1, v6;
	v63 =	vld.idx.msk [tilespmem:v7+s3+$0x0], $0xffff;
	v7 =	vshll.u32 v17, $0x4  }
0x102: {  	v8 =	vor.u32 v1, v8;
	v3 =	vld.idx.msk [tilespmem:v3+s5+$0x0], $0xffff;
	v17 =	vor.u32 v1, v7;
	v7 =	vshll.u32 v15, $0x4  }
0x103: {  	v9 =	vld.idx.msk [tilespmem:v9+s3+$0x0], $0xffff;
	v2 =	vor.u32 v1, v2;
	v15 =	vor.u32 v1, v7;
	v7 =	vshll.u32 v16, $0x4  }
0x104: {  	v11 =	vshll.u32 v11, $0x4;
	v10 =	vld.idx.msk [tilespmem:v10+s5+$0x0], $0xffff;
	v16 =	vor.u32 v1, v7  }
0x105: {  	v18 =	vld.idx.msk [tilespmem:v4+s3+$0x0], $0xffff;
	v4 =	vor.u32 v1, v11;
	v11 =	vshll.u32 v12, $0x4  }
0x106: {  	v6 =	vld.idx.msk [tilespmem:v6+s5+$0x0], $0xffff;
	v5 =	vshll.u32 v5, $0x4;
	v11 =	vor.u32 v1, v11  }
0x107: {  	v8 =	vld.idx.msk [tilespmem:v8+s5+$0x0], $0xffff;
	v5 =	vor.u32 v1, v5  }
0x108: {  	v14 =	vshll.u32 v14, $0x4;
	v2 =	vld.idx.msk [tilespmem:v2+s5+$0x0], $0xffff  }
0x109: {  	v14 =	vor.u32 v1, v14;
	v10 =	vmul.f32 v10, v9;
	v9 =	vld.idx.msk [tilespmem:v16+s5+$0x0], $0xffff  }
0x10a: {  	v4 =	vld.idx.msk [tilespmem:v4+s3+$0x0], $0xffff  }
0x10b: {  	v7 =	vld.idx.msk [tilespmem:v11+s5+$0x0], $0xffff;
	v11 =	vmul.f32 v3, v13  }
0x10c: {  	s11 =	simm.s32 $0x16880;
	v3 =	vld.idx.msk [tilespmem:v5+s3+$0x0], $0xffff;
	v5 =	vmul.f32 v6, v18  }
0x10d: {  	v6 =	vld.idx.msk [tilespmem:v17+s3+$0x0], $0xffff;
	[tilespmem:s11+$0x30] =	vst v11;
	v11 =	vmul.f32 v8, v63  }
0x10e: {  	v8 =	vld.idx.msk [tilespmem:v14+s5+$0x0], $0xffff;
	[tilespmem:s11+$0xFFFFFFD0] =	vst v5  }
0x10f: {  	s13 =	simm.s32 $0x0;
	s12 =	simm.s32 $0x6900;
	v5 =	vld.idx.msk [tilespmem:v15+s3+$0x0], $0xffff;
	[tilespmem:s11+$0xFFFFFFE0] =	vst v11  }
.LBB2_9:
0x110: {  	v11 =	vld [tilespmem:s12+$0x30];
	[tilespmem:s11+$0xFFFFFFF0] =	vst v10;
	v4 =	vmul.f32 v7, v4;
	s10 =	sadd.s32 $0x80, s10  }
0x111: {  	s13 =	sadd.s32 $0x80, s13;
	v7 =	vld [tilespmem:s10+$0x30]  }
0x112: {  	p2 =	slt.u32 s13, $0x1F80;
	v2 =	vmul.f32 v2, v6;
	v10 =	vld [tilespmem:s10+$0xFFFFFFC0];
	[tilespmem:s11+$0x0] =	vst v4  }
0x113: {  	v3 =	vmul.f32 v8, v3;
	v4 =	vld [tilespmem:s12+$0xFFFFFFD0]  }
0x114: {  	v6 =	vld [tilespmem:s10+$0xFFFFFFD0];
	[tilespmem:s11+$0xFFFFFFC0] =	vst v2  }
0x115: {  	v2 =	vld [tilespmem:s12+$0xFFFFFFE0];
	v8 =	vshll.u32 v11, $0x4;
	[tilespmem:s11+$0x10] =	vst v3;
	v3 =	vmul.f32 v9, v5  }
0x116: {  	v5 =	vld [tilespmem:s10+$0xFFFFFFE0];
	v8 =	vor.u32 v1, v8;
	v7 =	vshll.u32 v7, $0x4  }
0x117: {  	v9 =	vshll.u32 v10, $0x4;
	v10 =	vld [tilespmem:s12+$0xFFFFFFF0];
	v7 =	vor.u32 v1, v7;
	[tilespmem:s11+$0x20] =	vst v3  }
0x118: {  	v3 =	vor.u32 v1, v9;
	v4 =	vshll.u32 v4, $0x4;
	v9 =	vld [tilespmem:s10+$0xFFFFFFF0]  }
0x119: {  	v4 =	vor.u32 v1, v4;
	v6 =	vshll.u32 v6, $0x4;
	v11 =	vld [tilespmem:s12+$0x0]  }
0x11a: {  	v6 =	vor.u32 v1, v6;
	v2 =	vshll.u32 v2, $0x4;
	v12 =	vld [tilespmem:s10+$0x0]  }
0x11b: {  	v13 =	vor.u32 v1, v2;
	v2 =	vshll.u32 v5, $0x4;
	v5 =	vld.idx.msk [tilespmem:v8+s3+$0x0], $0xffff  }
0x11c: {  	v8 =	vor.u32 v1, v2;
	v2 =	vshll.u32 v10, $0x4;
	v7 =	vld.idx.msk [tilespmem:v7+s5+$0x0], $0xffff  }
0x11d: {  	v10 =	vor.u32 v1, v2;
	v2 =	vshll.u32 v9, $0x4;
	v9 =	vld [tilespmem:s12+$0x10]  }
0x11e: {  	v14 =	vor.u32 v1, v2;
	v2 =	vshll.u32 v11, $0x4;
	v11 =	vld [tilespmem:s10+$0x10]  }
0x11f: {  	v15 =	vor.u32 v1, v2;
	v2 =	vshll.u32 v12, $0x4;
	v12 =	vld [tilespmem:s12+$0x20]  }
0x120: {  	v16 =	vor.u32 v1, v2;
	v17 =	vld [tilespmem:s10+$0x20]  }
0x121: {  	v18 =	vld [tilespmem:s12+$0xFFFFFFC0]  }
0x122: {  	v5 =	vmul.f32 v7, v5;
	v2 =	vld.idx.msk [tilespmem:v3+s5+$0x0], $0xffff;
	v3 =	vshll.u32 v9, $0x4  }
0x123: {  	s11 =	sadd.s32 $0x80, s11;
	v7 =	vld.idx.msk [tilespmem:v4+s3+$0x0], $0xffff;
	v3 =	vor.u32 v1, v3;
	v4 =	vshll.u32 v11, $0x4  }
0x124: {  	v6 =	vld.idx.msk [tilespmem:v6+s5+$0x0], $0xffff;
	v9 =	vor.u32 v1, v4;
	v4 =	vshll.u32 v12, $0x4;
	[tilespmem:s11+$0x30] =	vst v5  }
0x125: {  	v5 =	vld.idx.msk [tilespmem:v13+s3+$0x0], $0xffff;
	v11 =	vor.u32 v1, v4;
	v4 =	vshll.u32 v17, $0x4  }
0x126: {  	v12 =	vshll.u32 v18, $0x4;
	v8 =	vld.idx.msk [tilespmem:v8+s5+$0x0], $0xffff;
	v13 =	vor.u32 v1, v4  }
0x127: {  	v12 =	vor.u32 v1, v12;
	v10 =	vld.idx.msk [tilespmem:v10+s3+$0x0], $0xffff  }
0x128: {  	v14 =	vld.idx.msk [tilespmem:v14+s5+$0x0], $0xffff  }
0x129: {  	v4 =	vld.idx.msk [tilespmem:v15+s3+$0x0], $0xffff  }
0x12a: {  	v15 =	vmul.f32 v6, v7;
	v7 =	vld.idx.msk [tilespmem:v16+s5+$0x0], $0xffff  }
.Ltmp5:
0x12b: {  	v3 =	vld.idx.msk [tilespmem:v3+s3+$0x0], $0xffff;
	(pc) =	sbr.rel @p2 .LBB2_9-.Ltmp5, $4  }
0x12c: {  	v5 =	vmul.f32 v8, v5;
	v6 =	vld.idx.msk [tilespmem:v12+s3+$0x0], $0xffff;
	[tilespmem:s11+$0xFFFFFFD0] =	vst v15  }
0x12d: {  	v8 =	vld.idx.msk [tilespmem:v9+s5+$0x0], $0xffff  }
0x12e: {  	v10 =	vmul.f32 v14, v10;
	[tilespmem:s11+$0xFFFFFFE0] =	vst v5;
	v5 =	vld.idx.msk [tilespmem:v11+s3+$0x0], $0xffff  }
0x12f: {  	s12 =	sadd.s32 $0x80, s12;
	v9 =	vld.idx.msk [tilespmem:v13+s5+$0x0], $0xffff  }
0x130: {  	_ = 	snop  }
0x131: {  	v4 =	vmul.f32 v7, v4  }
0x132: {  	[tilespmem:s11+$0xFFFFFFF0] =	vst v10;
	v2 =	vmul.f32 v2, v6  }
0x133: {  	[tilespmem:s11+$0x0] =	vst v4;
	v3 =	vmul.f32 v8, v3  }
0x134: {  	[tilespmem:s11+$0xFFFFFFC0] =	vst v2;
	v2 =	vmul.f32 v9, v5  }
0x135: {  	s21 =	sadd.s32 s21, s6;
	[tilespmem:s11+$0x10] =	vst v3  }
0x136: {  	s10 =	sadd.s32 $0x400, s21;
	[tilespmem:s11+$0x20] =	vst v2  }
0x137: {  	[hbm4b:s10+s7] =	stream.linear.scatter [tilespmem:s24], [sflag:$0x6], $0x2000, $0x38;
	[tilespmem:$0x1C840] =	vst v63  }
0x138: {  	s10 =	sadd.s32 @!p1 s16, s18  }
0x139: {  	s10 =	sshrl.u32 @!p1 s10, $0x3  }
0x13a: {  	s12 =	simm.s32 @!p1 $0x0;
	s13 =	simm.s32 @!p1 $0x6840;
	s11 =	sadd.s32 @!p1 s1, s10  }
0x13b: {  	[tilespmem:s13], [sflag:$0x2] =	stream.linear.gather @!p1 [hbm4b:s11+s12], $0x2000, $0x38;
	[tilespmem:$0x1C840] =	vst v63  }
0x13c: {  	s10 =	sadd.s32 @!p1 s2, s10;
	s11 =	simm.s32 @!p1 $0xE840  }
0x13d: {  	[tilespmem:s11], [sflag:$0x2] =	stream.linear.gather @!p1 [hbm4b:s10+s12], $0x2000, $0x38;
	[tilespmem:$0x1C840] =	vst v63  }
0x13e: {  	_ =	swait.ge [sflag:s25], $0x2000  }
0x13f: {  	[sflag:s25] =	ssyncset.done $0x0  }
0x140: {  	[sflag:s25] =	ssyncadd.s32 $0xFFFFE000  }
0x141: {  	_ =	swait.ge [sflag:s25], $0x2000  }
0x142: {  	[sflag:s25] =	ssyncset.done $0x0  }
0x143: {  	s10 =	simm.s32 @!p0 $0x7;
	[sflag:s25] =	ssyncadd.s32 $0xFFFFE000  }
0x144: {  	_ =	swait.ge @!p0 [sflag:s10], $0x2000  }
0x145: {  	[sflag:s10] =	ssyncset.done @!p0 $0x0  }
0x146: {  	s31 =	simm.s32 $0x8880;
	[sflag:s10] =	ssyncadd.s32 @!p0 $0xFFFFE000  }
0x147: {  	s10 =	simm.s32 $0x10880;
	v2 =	vld [tilespmem:s31+$0x30]  }
0x148: {  	v3 =	vld [tilespmem:s10+$0x30]  }
0x149: {  	v4 =	vld [tilespmem:s10+$0xFFFFFFC0]  }
0x14a: {  	v5 =	vld [tilespmem:s31+$0xFFFFFFD0]  }
0x14b: {  	v6 =	vld [tilespmem:s10+$0xFFFFFFD0]  }
0x14c: {  	v7 =	vld [tilespmem:s31+$0xFFFFFFE0]  }
0x14d: {  	v8 =	vld [tilespmem:s10+$0xFFFFFFE0]  }
0x14e: {  	v9 =	vld [tilespmem:s31+$0xFFFFFFF0]  }
0x14f: {  	v10 =	vld [tilespmem:s10+$0xFFFFFFF0]  }
0x150: {  	v11 =	vld [tilespmem:s31+$0x0];
	v2 =	vshll.u32 v2, $0x4  }
0x151: {  	v12 =	vld [tilespmem:s10+$0x0];
	v2 =	vor.u32 v1, v2  }
0x152: {  	v14 =	vld [tilespmem:s10+$0x10];
	v7 =	vshll.u32 v7, $0x4  }
0x153: {  	v17 =	vld [tilespmem:s31+$0xFFFFFFC0];
	v3 =	vshll.u32 v3, $0x4;
	v7 =	vor.u32 v1, v7  }
0x154: {  	v15 =	vld [tilespmem:s31+$0x20];
	v9 =	vshll.u32 v9, $0x4;
	v3 =	vor.u32 v1, v3  }
0x155: {  	v16 =	vld [tilespmem:s10+$0x20];
	v10 =	vshll.u32 v10, $0x4;
	v9 =	vor.u32 v1, v9  }
0x156: {  	v10 =	vor.u32 v1, v10;
	v13 =	vld.idx.msk [tilespmem:v2+s3+$0x0], $0xffff;
	v2 =	vshll.u32 v4, $0x4;
	v4 =	vshll.u32 v5, $0x4  }
0x157: {  	v6 =	vshll.u32 v6, $0x4;
	v5 =	vld [tilespmem:s31+$0x10];
	v4 =	vor.u32 v1, v4  }
0x158: {  	v8 =	vshll.u32 v8, $0x4;
	v6 =	vor.u32 v1, v6;
	v63 =	vld.idx.msk [tilespmem:v7+s3+$0x0], $0xffff;
	v7 =	vshll.u32 v17, $0x4  }
0x159: {  	v8 =	vor.u32 v1, v8;
	v3 =	vld.idx.msk [tilespmem:v3+s5+$0x0], $0xffff;
	v17 =	vor.u32 v1, v7;
	v7 =	vshll.u32 v15, $0x4  }
0x15a: {  	v9 =	vld.idx.msk [tilespmem:v9+s3+$0x0], $0xffff;
	v2 =	vor.u32 v1, v2;
	v15 =	vor.u32 v1, v7;
	v7 =	vshll.u32 v16, $0x4  }
0x15b: {  	v11 =	vshll.u32 v11, $0x4;
	v10 =	vld.idx.msk [tilespmem:v10+s5+$0x0], $0xffff;
	v16 =	vor.u32 v1, v7  }
0x15c: {  	v18 =	vld.idx.msk [tilespmem:v4+s3+$0x0], $0xffff;
	v4 =	vor.u32 v1, v11;
	v11 =	vshll.u32 v12, $0x4  }
0x15d: {  	v6 =	vld.idx.msk [tilespmem:v6+s5+$0x0], $0xffff;
	v5 =	vshll.u32 v5, $0x4;
	v11 =	vor.u32 v1, v11  }
0x15e: {  	v8 =	vld.idx.msk [tilespmem:v8+s5+$0x0], $0xffff;
	v5 =	vor.u32 v1, v5  }
0x15f: {  	v14 =	vshll.u32 v14, $0x4;
	v2 =	vld.idx.msk [tilespmem:v2+s5+$0x0], $0xffff  }
0x160: {  	v14 =	vor.u32 v1, v14;
	v10 =	vmul.f32 v10, v9;
	v9 =	vld.idx.msk [tilespmem:v16+s5+$0x0], $0xffff  }
0x161: {  	v4 =	vld.idx.msk [tilespmem:v4+s3+$0x0], $0xffff  }
0x162: {  	v7 =	vld.idx.msk [tilespmem:v11+s5+$0x0], $0xffff;
	v11 =	vmul.f32 v3, v13  }
0x163: {  	s11 =	simm.s32 $0x18880;
	v3 =	vld.idx.msk [tilespmem:v5+s3+$0x0], $0xffff;
	v5 =	vmul.f32 v6, v18  }
0x164: {  	v6 =	vld.idx.msk [tilespmem:v17+s3+$0x0], $0xffff;
	[tilespmem:s11+$0x30] =	vst v11;
	v11 =	vmul.f32 v8, v63  }
0x165: {  	v8 =	vld.idx.msk [tilespmem:v14+s5+$0x0], $0xffff;
	[tilespmem:s11+$0xFFFFFFD0] =	vst v5  }
0x166: {  	s13 =	simm.s32 $0x0;
	s12 =	simm.s32 $0x8900;
	v5 =	vld.idx.msk [tilespmem:v15+s3+$0x0], $0xffff;
	[tilespmem:s11+$0xFFFFFFE0] =	vst v11  }
.LBB2_11:
0x167: {  	v11 =	vld [tilespmem:s12+$0x30];
	[tilespmem:s11+$0xFFFFFFF0] =	vst v10;
	v4 =	vmul.f32 v7, v4;
	s10 =	sadd.s32 $0x80, s10  }
0x168: {  	s13 =	sadd.s32 $0x80, s13;
	v7 =	vld [tilespmem:s10+$0x30]  }
0x169: {  	p2 =	slt.u32 s13, $0x1F80;
	v2 =	vmul.f32 v2, v6;
	v10 =	vld [tilespmem:s10+$0xFFFFFFC0];
	[tilespmem:s11+$0x0] =	vst v4  }
0x16a: {  	v3 =	vmul.f32 v8, v3;
	v4 =	vld [tilespmem:s12+$0xFFFFFFD0]  }
0x16b: {  	v6 =	vld [tilespmem:s10+$0xFFFFFFD0];
	[tilespmem:s11+$0xFFFFFFC0] =	vst v2  }
0x16c: {  	v2 =	vld [tilespmem:s12+$0xFFFFFFE0];
	v8 =	vshll.u32 v11, $0x4;
	[tilespmem:s11+$0x10] =	vst v3;
	v3 =	vmul.f32 v9, v5  }
0x16d: {  	v5 =	vld [tilespmem:s10+$0xFFFFFFE0];
	v8 =	vor.u32 v1, v8;
	v7 =	vshll.u32 v7, $0x4  }
0x16e: {  	v9 =	vshll.u32 v10, $0x4;
	v10 =	vld [tilespmem:s12+$0xFFFFFFF0];
	v7 =	vor.u32 v1, v7;
	[tilespmem:s11+$0x20] =	vst v3  }
0x16f: {  	v3 =	vor.u32 v1, v9;
	v4 =	vshll.u32 v4, $0x4;
	v9 =	vld [tilespmem:s10+$0xFFFFFFF0]  }
0x170: {  	v4 =	vor.u32 v1, v4;
	v6 =	vshll.u32 v6, $0x4;
	v11 =	vld [tilespmem:s12+$0x0]  }
0x171: {  	v6 =	vor.u32 v1, v6;
	v2 =	vshll.u32 v2, $0x4;
	v12 =	vld [tilespmem:s10+$0x0]  }
0x172: {  	v13 =	vor.u32 v1, v2;
	v2 =	vshll.u32 v5, $0x4;
	v5 =	vld.idx.msk [tilespmem:v8+s3+$0x0], $0xffff  }
0x173: {  	v8 =	vor.u32 v1, v2;
	v2 =	vshll.u32 v10, $0x4;
	v7 =	vld.idx.msk [tilespmem:v7+s5+$0x0], $0xffff  }
0x174: {  	v10 =	vor.u32 v1, v2;
	v2 =	vshll.u32 v9, $0x4;
	v9 =	vld [tilespmem:s12+$0x10]  }
0x175: {  	v14 =	vor.u32 v1, v2;
	v2 =	vshll.u32 v11, $0x4;
	v11 =	vld [tilespmem:s10+$0x10]  }
0x176: {  	v15 =	vor.u32 v1, v2;
	v2 =	vshll.u32 v12, $0x4;
	v12 =	vld [tilespmem:s12+$0x20]  }
0x177: {  	v16 =	vor.u32 v1, v2;
	v17 =	vld [tilespmem:s10+$0x20]  }
0x178: {  	v18 =	vld [tilespmem:s12+$0xFFFFFFC0]  }
0x179: {  	v5 =	vmul.f32 v7, v5;
	v2 =	vld.idx.msk [tilespmem:v3+s5+$0x0], $0xffff;
	v3 =	vshll.u32 v9, $0x4  }
0x17a: {  	s11 =	sadd.s32 $0x80, s11;
	v7 =	vld.idx.msk [tilespmem:v4+s3+$0x0], $0xffff;
	v3 =	vor.u32 v1, v3;
	v4 =	vshll.u32 v11, $0x4  }
0x17b: {  	v6 =	vld.idx.msk [tilespmem:v6+s5+$0x0], $0xffff;
	v9 =	vor.u32 v1, v4;
	v4 =	vshll.u32 v12, $0x4;
	[tilespmem:s11+$0x30] =	vst v5  }
0x17c: {  	v5 =	vld.idx.msk [tilespmem:v13+s3+$0x0], $0xffff;
	v11 =	vor.u32 v1, v4;
	v4 =	vshll.u32 v17, $0x4  }
0x17d: {  	v12 =	vshll.u32 v18, $0x4;
	v8 =	vld.idx.msk [tilespmem:v8+s5+$0x0], $0xffff;
	v13 =	vor.u32 v1, v4  }
0x17e: {  	v12 =	vor.u32 v1, v12;
	v10 =	vld.idx.msk [tilespmem:v10+s3+$0x0], $0xffff  }
0x17f: {  	v14 =	vld.idx.msk [tilespmem:v14+s5+$0x0], $0xffff  }
0x180: {  	v4 =	vld.idx.msk [tilespmem:v15+s3+$0x0], $0xffff  }
0x181: {  	v15 =	vmul.f32 v6, v7;
	v7 =	vld.idx.msk [tilespmem:v16+s5+$0x0], $0xffff  }
.Ltmp6:
0x182: {  	v3 =	vld.idx.msk [tilespmem:v3+s3+$0x0], $0xffff;
	(pc) =	sbr.rel @p2 .LBB2_11-.Ltmp6, $4  }
0x183: {  	v5 =	vmul.f32 v8, v5;
	v6 =	vld.idx.msk [tilespmem:v12+s3+$0x0], $0xffff;
	[tilespmem:s11+$0xFFFFFFD0] =	vst v15  }
0x184: {  	v8 =	vld.idx.msk [tilespmem:v9+s5+$0x0], $0xffff  }
0x185: {  	v10 =	vmul.f32 v14, v10;
	[tilespmem:s11+$0xFFFFFFE0] =	vst v5;
	v5 =	vld.idx.msk [tilespmem:v11+s3+$0x0], $0xffff  }
0x186: {  	s12 =	sadd.s32 $0x80, s12;
	v9 =	vld.idx.msk [tilespmem:v13+s5+$0x0], $0xffff  }
0x187: {  	_ = 	snop  }
0x188: {  	v4 =	vmul.f32 v7, v4  }
0x189: {  	[tilespmem:s11+$0xFFFFFFF0] =	vst v10;
	v2 =	vmul.f32 v2, v6  }
0x18a: {  	[tilespmem:s11+$0x0] =	vst v4;
	v3 =	vmul.f32 v8, v3  }
0x18b: {  	[tilespmem:s11+$0xFFFFFFC0] =	vst v2;
	v2 =	vmul.f32 v9, v5  }
0x18c: {  	[tilespmem:s11+$0x10] =	vst v3  }
0x18d: {  	s10 =	sadd.s32 $0x800, s21;
	[tilespmem:s11+$0x20] =	vst v2  }
0x18e: {  	[hbm4b:s10+s7] =	stream.linear.scatter [tilespmem:s26], [sflag:$0x7], $0x2000, $0x38;
	[tilespmem:$0x1C840] =	vst v63  }
0x18f: {  	s10 =	sadd.s32 @!p1 s16, s19  }
0x190: {  	s10 =	sshrl.u32 @!p1 s10, $0x3  }
0x191: {  	s12 =	simm.s32 @!p1 $0x0;
	s13 =	simm.s32 @!p1 $0x8840;
	s11 =	sadd.s32 @!p1 s1, s10  }
0x192: {  	[tilespmem:s13], [sflag:$0x3] =	stream.linear.gather @!p1 [hbm4b:s11+s12], $0x2000, $0x38;
	[tilespmem:$0x1C840] =	vst v63  }
0x193: {  	s10 =	sadd.s32 @!p1 s2, s10;
	s11 =	simm.s32 @!p1 $0x10840  }
0x194: {  	[tilespmem:s11], [sflag:$0x3] =	stream.linear.gather @!p1 [hbm4b:s10+s12], $0x2000, $0x38;
	[tilespmem:$0x1C840] =	vst v63  }
0x195: {  	_ =	swait.ge [sflag:s28], $0x2000  }
0x196: {  	[sflag:s28] =	ssyncset.done $0x0  }
0x197: {  	[sflag:s28] =	ssyncadd.s32 $0xFFFFE000  }
0x198: {  	_ =	swait.ge [sflag:s28], $0x2000  }
0x199: {  	[sflag:s28] =	ssyncset.done $0x0  }
0x19a: {  	s10 =	simm.s32 @!p0 $0x8;
	[sflag:s28] =	ssyncadd.s32 $0xFFFFE000  }
0x19b: {  	_ =	swait.ge @!p0 [sflag:s10], $0x2000  }
0x19c: {  	[sflag:s10] =	ssyncset.done @!p0 $0x0  }
0x19d: {  	s31 =	simm.s32 $0xA880;
	[sflag:s10] =	ssyncadd.s32 @!p0 $0xFFFFE000  }
0x19e: {  	s10 =	simm.s32 $0x12880;
	v2 =	vld [tilespmem:s31+$0x30]  }
0x19f: {  	v3 =	vld [tilespmem:s10+$0x30]  }
0x1a0: {  	v4 =	vld [tilespmem:s10+$0xFFFFFFC0]  }
0x1a1: {  	v5 =	vld [tilespmem:s31+$0xFFFFFFD0]  }
0x1a2: {  	v6 =	vld [tilespmem:s10+$0xFFFFFFD0]  }
0x1a3: {  	v7 =	vld [tilespmem:s31+$0xFFFFFFE0]  }
0x1a4: {  	v8 =	vld [tilespmem:s10+$0xFFFFFFE0]  }
0x1a5: {  	v9 =	vld [tilespmem:s31+$0xFFFFFFF0]  }
0x1a6: {  	v10 =	vld [tilespmem:s10+$0xFFFFFFF0]  }
0x1a7: {  	v11 =	vld [tilespmem:s31+$0x0];
	v2 =	vshll.u32 v2, $0x4  }
0x1a8: {  	v12 =	vld [tilespmem:s10+$0x0];
	v2 =	vor.u32 v1, v2  }
0x1a9: {  	v14 =	vld [tilespmem:s10+$0x10];
	v7 =	vshll.u32 v7, $0x4  }
0x1aa: {  	v17 =	vld [tilespmem:s31+$0xFFFFFFC0];
	v3 =	vshll.u32 v3, $0x4;
	v7 =	vor.u32 v1, v7  }
0x1ab: {  	v15 =	vld [tilespmem:s31+$0x20];
	v9 =	vshll.u32 v9, $0x4;
	v3 =	vor.u32 v1, v3  }
0x1ac: {  	v16 =	vld [tilespmem:s10+$0x20];
	v10 =	vshll.u32 v10, $0x4;
	v9 =	vor.u32 v1, v9  }
0x1ad: {  	v10 =	vor.u32 v1, v10;
	v13 =	vld.idx.msk [tilespmem:v2+s3+$0x0], $0xffff;
	v2 =	vshll.u32 v4, $0x4;
	v4 =	vshll.u32 v5, $0x4  }
0x1ae: {  	v6 =	vshll.u32 v6, $0x4;
	v5 =	vld [tilespmem:s31+$0x10];
	v4 =	vor.u32 v1, v4  }
0x1af: {  	v8 =	vshll.u32 v8, $0x4;
	v6 =	vor.u32 v1, v6;
	v63 =	vld.idx.msk [tilespmem:v7+s3+$0x0], $0xffff;
	v7 =	vshll.u32 v17, $0x4  }
0x1b0: {  	v8 =	vor.u32 v1, v8;
	v3 =	vld.idx.msk [tilespmem:v3+s5+$0x0], $0xffff;
	v17 =	vor.u32 v1, v7;
	v7 =	vshll.u32 v15, $0x4  }
0x1b1: {  	v9 =	vld.idx.msk [tilespmem:v9+s3+$0x0], $0xffff;
	v2 =	vor.u32 v1, v2;
	v15 =	vor.u32 v1, v7;
	v7 =	vshll.u32 v16, $0x4  }
0x1b2: {  	v11 =	vshll.u32 v11, $0x4;
	v10 =	vld.idx.msk [tilespmem:v10+s5+$0x0], $0xffff;
	v16 =	vor.u32 v1, v7  }
0x1b3: {  	v18 =	vld.idx.msk [tilespmem:v4+s3+$0x0], $0xffff;
	v4 =	vor.u32 v1, v11;
	v11 =	vshll.u32 v12, $0x4  }
0x1b4: {  	v6 =	vld.idx.msk [tilespmem:v6+s5+$0x0], $0xffff;
	v5 =	vshll.u32 v5, $0x4;
	v11 =	vor.u32 v1, v11  }
0x1b5: {  	v8 =	vld.idx.msk [tilespmem:v8+s5+$0x0], $0xffff;
	v5 =	vor.u32 v1, v5  }
0x1b6: {  	v14 =	vshll.u32 v14, $0x4;
	v2 =	vld.idx.msk [tilespmem:v2+s5+$0x0], $0xffff  }
0x1b7: {  	v14 =	vor.u32 v1, v14;
	v10 =	vmul.f32 v10, v9;
	v9 =	vld.idx.msk [tilespmem:v16+s5+$0x0], $0xffff  }
0x1b8: {  	v4 =	vld.idx.msk [tilespmem:v4+s3+$0x0], $0xffff  }
0x1b9: {  	v7 =	vld.idx.msk [tilespmem:v11+s5+$0x0], $0xffff;
	v11 =	vmul.f32 v3, v13  }
0x1ba: {  	s11 =	simm.s32 $0x1A880;
	v3 =	vld.idx.msk [tilespmem:v5+s3+$0x0], $0xffff;
	v5 =	vmul.f32 v6, v18  }
0x1bb: {  	v6 =	vld.idx.msk [tilespmem:v17+s3+$0x0], $0xffff;
	[tilespmem:s11+$0x30] =	vst v11;
	v11 =	vmul.f32 v8, v63  }
0x1bc: {  	v8 =	vld.idx.msk [tilespmem:v14+s5+$0x0], $0xffff;
	[tilespmem:s11+$0xFFFFFFD0] =	vst v5  }
0x1bd: {  	s13 =	simm.s32 $0x0;
	s12 =	simm.s32 $0xA900;
	v5 =	vld.idx.msk [tilespmem:v15+s3+$0x0], $0xffff;
	[tilespmem:s11+$0xFFFFFFE0] =	vst v11  }
.LBB2_13:
0x1be: {  	v11 =	vld [tilespmem:s12+$0x30];
	[tilespmem:s11+$0xFFFFFFF0] =	vst v10;
	v4 =	vmul.f32 v7, v4;
	s10 =	sadd.s32 $0x80, s10  }
0x1bf: {  	s13 =	sadd.s32 $0x80, s13;
	v7 =	vld [tilespmem:s10+$0x30]  }
0x1c0: {  	p0 =	slt.u32 s13, $0x1F80;
	v2 =	vmul.f32 v2, v6;
	v10 =	vld [tilespmem:s10+$0xFFFFFFC0];
	[tilespmem:s11+$0x0] =	vst v4  }
0x1c1: {  	v3 =	vmul.f32 v8, v3;
	v4 =	vld [tilespmem:s12+$0xFFFFFFD0]  }
0x1c2: {  	v6 =	vld [tilespmem:s10+$0xFFFFFFD0];
	[tilespmem:s11+$0xFFFFFFC0] =	vst v2  }
0x1c3: {  	v2 =	vld [tilespmem:s12+$0xFFFFFFE0];
	v8 =	vshll.u32 v11, $0x4;
	[tilespmem:s11+$0x10] =	vst v3;
	v3 =	vmul.f32 v9, v5  }
0x1c4: {  	v5 =	vld [tilespmem:s10+$0xFFFFFFE0];
	v8 =	vor.u32 v1, v8;
	v7 =	vshll.u32 v7, $0x4  }
0x1c5: {  	v9 =	vshll.u32 v10, $0x4;
	v10 =	vld [tilespmem:s12+$0xFFFFFFF0];
	v7 =	vor.u32 v1, v7;
	[tilespmem:s11+$0x20] =	vst v3  }
0x1c6: {  	v3 =	vor.u32 v1, v9;
	v4 =	vshll.u32 v4, $0x4;
	v9 =	vld [tilespmem:s10+$0xFFFFFFF0]  }
0x1c7: {  	v4 =	vor.u32 v1, v4;
	v6 =	vshll.u32 v6, $0x4;
	v11 =	vld [tilespmem:s12+$0x0]  }
0x1c8: {  	v6 =	vor.u32 v1, v6;
	v2 =	vshll.u32 v2, $0x4;
	v12 =	vld [tilespmem:s10+$0x0]  }
0x1c9: {  	v13 =	vor.u32 v1, v2;
	v2 =	vshll.u32 v5, $0x4;
	v5 =	vld.idx.msk [tilespmem:v8+s3+$0x0], $0xffff  }
0x1ca: {  	v8 =	vor.u32 v1, v2;
	v2 =	vshll.u32 v10, $0x4;
	v7 =	vld.idx.msk [tilespmem:v7+s5+$0x0], $0xffff  }
0x1cb: {  	v10 =	vor.u32 v1, v2;
	v2 =	vshll.u32 v9, $0x4;
	v9 =	vld [tilespmem:s12+$0x10]  }
0x1cc: {  	v14 =	vor.u32 v1, v2;
	v2 =	vshll.u32 v11, $0x4;
	v11 =	vld [tilespmem:s10+$0x10]  }
0x1cd: {  	v15 =	vor.u32 v1, v2;
	v2 =	vshll.u32 v12, $0x4;
	v12 =	vld [tilespmem:s12+$0x20]  }
0x1ce: {  	v16 =	vor.u32 v1, v2;
	v17 =	vld [tilespmem:s10+$0x20]  }
0x1cf: {  	v18 =	vld [tilespmem:s12+$0xFFFFFFC0]  }
0x1d0: {  	v5 =	vmul.f32 v7, v5;
	v2 =	vld.idx.msk [tilespmem:v3+s5+$0x0], $0xffff;
	v3 =	vshll.u32 v9, $0x4  }
0x1d1: {  	s11 =	sadd.s32 $0x80, s11;
	v7 =	vld.idx.msk [tilespmem:v4+s3+$0x0], $0xffff;
	v3 =	vor.u32 v1, v3;
	v4 =	vshll.u32 v11, $0x4  }
0x1d2: {  	v6 =	vld.idx.msk [tilespmem:v6+s5+$0x0], $0xffff;
	v9 =	vor.u32 v1, v4;
	v4 =	vshll.u32 v12, $0x4;
	[tilespmem:s11+$0x30] =	vst v5  }
0x1d3: {  	v5 =	vld.idx.msk [tilespmem:v13+s3+$0x0], $0xffff;
	v11 =	vor.u32 v1, v4;
	v4 =	vshll.u32 v17, $0x4  }
0x1d4: {  	v12 =	vshll.u32 v18, $0x4;
	v8 =	vld.idx.msk [tilespmem:v8+s5+$0x0], $0xffff;
	v13 =	vor.u32 v1, v4  }
0x1d5: {  	v12 =	vor.u32 v1, v12;
	v10 =	vld.idx.msk [tilespmem:v10+s3+$0x0], $0xffff  }
0x1d6: {  	v14 =	vld.idx.msk [tilespmem:v14+s5+$0x0], $0xffff  }
0x1d7: {  	v4 =	vld.idx.msk [tilespmem:v15+s3+$0x0], $0xffff  }
0x1d8: {  	v15 =	vmul.f32 v6, v7;
	v7 =	vld.idx.msk [tilespmem:v16+s5+$0x0], $0xffff  }
.Ltmp7:
0x1d9: {  	v3 =	vld.idx.msk [tilespmem:v3+s3+$0x0], $0xffff;
	(pc) =	sbr.rel @p0 .LBB2_13-.Ltmp7, $4  }
0x1da: {  	v5 =	vmul.f32 v8, v5;
	v6 =	vld.idx.msk [tilespmem:v12+s3+$0x0], $0xffff;
	[tilespmem:s11+$0xFFFFFFD0] =	vst v15  }
0x1db: {  	v8 =	vld.idx.msk [tilespmem:v9+s5+$0x0], $0xffff  }
0x1dc: {  	v10 =	vmul.f32 v14, v10;
	[tilespmem:s11+$0xFFFFFFE0] =	vst v5;
	v5 =	vld.idx.msk [tilespmem:v11+s3+$0x0], $0xffff  }
0x1dd: {  	s12 =	sadd.s32 $0x80, s12;
	v9 =	vld.idx.msk [tilespmem:v13+s5+$0x0], $0xffff  }
0x1de: {  	_ = 	snop  }
0x1df: {  	v4 =	vmul.f32 v7, v4  }
0x1e0: {  	[tilespmem:s11+$0xFFFFFFF0] =	vst v10;
	v2 =	vmul.f32 v2, v6  }
.Ltmp8:
0x1e1: {  	[tilespmem:s11+$0x0] =	vst v4;
	v3 =	vmul.f32 v8, v3;
	(pc) =	sbr.rel @p1 .LBB2_16-.Ltmp8, $4  }
0x1e2: {  	[tilespmem:s11+$0xFFFFFFC0] =	vst v2;
	v2 =	vmul.f32 v9, v5  }
0x1e3: {  	[tilespmem:s11+$0x10] =	vst v3  }
0x1e4: {  	s10 =	sadd.s32 $0xC00, s21;
	[tilespmem:s11+$0x20] =	vst v2  }
0x1e5: {  	[hbm4b:s10+s7] =	stream.linear.scatter [tilespmem:s9], [sflag:$0x8], $0x2000, $0x38;
	[tilespmem:$0x1C840] =	vst v63  }
0x1e6: {  	s10 =	sadd.s32 s16, s20  }
.Ltmp9:
0x1e7: {  	s10 =	sshrl.u32 s10, $0x3;
	(pc) =	sbr.rel .LBB2_6-.Ltmp9, $4  }
0x1e8: {  	s11 =	sadd.s32 s1, s10  }
0x1e9: {  	[tilespmem:s29], [sflag:$0x4] =	stream.linear.gather [hbm4b:s11+s7], $0x2000, $0x38;
	[tilespmem:$0x1C840] =	vst v63  }
0x1ea: {  	s15 =	sadd.s32 $0x1, s15;
	s10 =	sadd.s32 s2, s10  }
0x1eb: {  	[tilespmem:s30], [sflag:$0x4] =	stream.linear.gather [hbm4b:s10+s7], $0x2000, $0x38;
	[tilespmem:$0x1C840] =	vst v63  }
.LBB2_17:
0x1ec: {  	_ =	sfence.sel $0x180000  }
0x1ed: {  	[bflag:$0x0] =	sbarrier.arrive $0xFFFF  }
0x1ee: {  	_ =	strace $0x90000047  }
0x1ef: {  	s0 =	stileid.u32;
	[bflag:$0x2] =	sbarrier.arrive $0xFFFF  }
0x1f0: {  	p0 =	sne.s32 s0, $0x0;
	s0 =	rddreg [dreg:$0x5]  }
0x1f1: {  	s0 =	sadd.s32 @!p0 $0x100000, s0  }
0x1f2: {  	[sflag:s0] =	ssyncadd.tile.s32 @!p0 $0x1;
	_ =	shalt  }
.Lfunc_end2:
_tile_overlayer_lowered:
.L_overlay_start_2:
0x1f3: {  	(tag) =	ssettag $0x2  }
0x1f4: {  	s0 =	rddreg [dreg:$0x0];
	s2 =	stileid.u32  }
0x1f5: {  	s1 =	rddreg [dreg:$0x1];
	p0 =	sne.s32 s2, $0x0  }
0x1f6: {  	s3 =	rddreg [dreg:$0x2];
	[bflag:$0x3] =	sbarrier.arrive $0xFFFF;
	s2 =	simm.s32 @!p0 $0x1C09  }
0x1f7: {  	[timem:s3], [sflag:s2] =	dma.local @!p0 [hbm:s0], s1  }
0x1f8: {  	s0 =	simm.s32 @!p0 $0x9  }
0x1f9: {  	_ =	swait.ge @!p0 [sflag:s0], s1  }
0x1fa: {  	s1 =	ssub.s32 @!p0 $0x0, s1;
	[sflag:s0] =	ssyncset.done @!p0 $0x0  }
0x1fb: {  	[sflag:s0] =	ssyncadd.s32 @!p0 s1  }
0x1fc: {  	[bflag:$0x3] =	sbarrier.arrive $0xFFFF  }
0x1fd: {  	_ =	shalt  }

</sc_bundles>
